<compile_context>
chip_gen: v7x
topology: tpu7x:2x2x1
jax: 0.10.2.dev20260603
libtpu: 0.0.44.dev20260713+nightly
codegen_flags: <defaults>
</compile_context>

<pallas_src>
import functools

import jax
import jax.numpy as jnp
from jax import lax
from jax.experimental import pallas as pl
from jax.experimental.pallas import tpu as pltpu
from jax.experimental.pallas import tpu_sc as plsc

_N_BITS = 20
_BATCH = 4096
_P_LOCAL = 11
_TBL = 1 << _P_LOCAL
_RAM = 1 << _N_BITS
_TAIL_BASE = _TBL
_SPLIT = 1 << (_N_BITS - 1)
_CHUNK = 128


def kernel(bits, ram):
    info = plsc.get_sparse_core_info()
    nc, ns, lanes = info.num_cores, info.num_subcores, info.num_lanes
    nw = nc * ns
    rows_per_w = _BATCH // nw
    flat_per_w = rows_per_w * _N_BITS
    n_groups = rows_per_w // lanes
    n_tail = _N_BITS - _P_LOCAL
    tail_per_w = n_tail * rows_per_w

    mesh = plsc.VectorSubcoreMesh(core_axis_name="c", subcore_axis_name="s")

    @functools.partial(
        pl.kernel,
        mesh=mesh,
        out_type=jax.ShapeDtypeStruct((_BATCH * _N_BITS,), jnp.float32),
        compiler_params=pltpu.CompilerParams(needs_layout_passes=False),
        scratch_types=[
            pltpu.VMEM((flat_per_w,), jnp.int32),
            pltpu.VMEM((rows_per_w,), jnp.int32),
            pltpu.VMEM(((n_tail - 1) * rows_per_w,), jnp.int32),
            pltpu.VMEM((tail_per_w,), jnp.float32),
            pltpu.VMEM((_TBL,), jnp.float32),
            pltpu.VMEM((flat_per_w,), jnp.float32),
            pltpu.VMEM_SHARED((_SPLIT - _TAIL_BASE,), jnp.float32),
            pltpu.SemaphoreType.DMA,
            pltpu.SemaphoreType.DMA,
            pltpu.SemaphoreType.DMA,
        ],
    )
    def _sc_kernel(bits_hbm, ram_hbm, out_hbm,
                   bits_v, vbuf_v, taddr_v, tm_v, tbl_v, out_v,
                   ram_sh, sem_tbl, sem_fill, sem_s):
        sid = lax.axis_index("s")
        wid = sid * nc + lax.axis_index("c")
        base = wid * flat_per_w

        tbl_copy = pltpu.async_copy(ram_hbm.at[pl.ds(0, _TBL)], tbl_v, sem_tbl)

        n_fill = 4
        fill_q = (_SPLIT - _TAIL_BASE) // n_fill

        @pl.when(sid < n_fill)
        def _fill_spmem():
            fo = sid * fill_q
            pltpu.async_copy(ram_hbm.at[pl.ds(_TAIL_BASE + fo, fill_q)],
                             ram_sh.at[pl.ds(fo, fill_q)], sem_fill)

        pltpu.sync_copy(bits_hbm.at[pl.ds(base, flat_per_w)], bits_v)

        iota = lax.iota(jnp.int32, lanes)

        def p1_body(g, carry):
            ridx = (g * lanes + iota) * _N_BITS
            v = jnp.zeros((lanes,), jnp.int32)
            for p in range(_N_BITS):
                bp = plsc.load_gather(bits_v, [ridx + (_N_BITS - 1 - p)])
                v = v + bp * (1 << p)
            vbuf_v[pl.ds(g * lanes, lanes)] = v
            for t in range(n_tail - 1):
                p = _P_LOCAL + t
                ga = (v & ((1 << p) - 1)) + ((1 << p) - _TAIL_BASE)
                taddr_v[pl.ds(t * rows_per_w + g * lanes, lanes)] = ga
            p = _N_BITS - 1
            ga19 = (v & ((1 << p) - 1)) + (1 << p)
            pltpu.async_copy(
                ram_hbm.at[ga19],
                tm_v.at[pl.ds((n_tail - 1) * rows_per_w + g * lanes, lanes)],
                sem_s,
            )
            return carry

        lax.fori_loop(0, n_groups, p1_body, 0)

        @pl.when(sid < n_fill)
        def _wait_fill():
            fo = sid * fill_q
            pltpu.make_async_copy(ram_hbm.at[pl.ds(_TAIL_BASE + fo, fill_q)],
                                  ram_sh.at[pl.ds(fo, fill_q)], sem_fill).wait()

        plsc.subcore_barrier()
        copies = [
            pltpu.async_copy(
                ram_sh.at[taddr_v.at[pl.ds(j * _CHUNK, _CHUNK)]],
                tm_v.at[pl.ds(j * _CHUNK, _CHUNK)],
                sem_s,
            )
            for j in range(tail_per_w // _CHUNK - 1)
        ]

        tbl_copy.wait()

        def p2_body(g, carry):
            ridx = (g * lanes + iota) * _N_BITS
            v = vbuf_v[pl.ds(g * lanes, lanes)]
            for p in range(_P_LOCAL):
                if p == 0:
                    ga = v >> _N_BITS
                else:
                    ga = (v & ((1 << p) - 1)) + (1 << p)
                m = plsc.load_gather(tbl_v, [ga])
                b = ((v >> p) & 1).astype(jnp.float32)
                plsc.store_scatter(out_v, [ridx + (_N_BITS - 1 - p)],
                                   b + m - 2.0 * b * m)
            return carry

        lax.fori_loop(0, n_groups, p2_body, 0)

        for cp in copies:
            cp.wait()
        pltpu.make_async_copy(
            ram_hbm.at[pl.ds(0, rows_per_w)],
            tm_v.at[pl.ds((n_tail - 1) * rows_per_w, rows_per_w)],
            sem_s,
        ).wait()

        def p3_body(g, carry):
            ridx = (g * lanes + iota) * _N_BITS
            v = vbuf_v[pl.ds(g * lanes, lanes)]
            for t in range(n_tail):
                p = _P_LOCAL + t
                m = tm_v[pl.ds(t * rows_per_w + g * lanes, lanes)]
                b = ((v >> p) & 1).astype(jnp.float32)
                plsc.store_scatter(out_v, [ridx + (_N_BITS - 1 - p)],
                                   b + m - 2.0 * b * m)
            return carry

        lax.fori_loop(0, n_groups, p3_body, 0)

        pltpu.sync_copy(out_v, out_hbm.at[pl.ds(base, flat_per_w)])

    out_flat = _sc_kernel(bits.reshape(-1), ram)
    return out_flat.reshape(_BATCH, _N_BITS)

# --- scband reference (transcript-rebuilt; emitter-appended) ---
"""Pipeline reference for scband-bit-level-mapper-18691697672519 (READ-ONLY COPY).

The authoritative reference and input builder live on the scoring server;
editing this copy changes nothing except your own understanding.
"""

import jax, jax.numpy as jnp
import numpy as np

N_BITS = 20
BATCH = 4096


def _ram_sizes(n_bits):
    # RAMLayer for bit_pos p has total_input_bits = max(1, p) under CUMULATIVE+FLIP,
    # so its memory has 2**max(1, p) addressable cells.
    return [2 ** max(1, p) for p in range(n_bits)]


def setup_inputs(seed: int = 0) -> dict:
    key = jax.random.key(seed)
    k1, k2 = jax.random.split(key)
    bits = jax.random.randint(k1, (BATCH, N_BITS), 0, 2, dtype=jnp.int32)
    total = int(sum(_ram_sizes(N_BITS)))
    # learned RAM contents for all n_bits bit-mappers, packed flat (float-relaxed bits)
    ram = jax.random.uniform(k2, (total,), dtype=jnp.float32)
    return {"bits": bits, "ram": ram}


def reference(bits, ram):
    # Faithful translation of BitLevelMapper.forward with CUMULATIVE context and FLIP output.
    # Array index i of `bits` corresponds to bit position n_bits-1-i (index 0 is MSB).
    # For bit_pos p > 0: context = bits[n_bits-p:] reversed -> order bit0, bit1, ..., bit_{p-1}.
    # RAMLayer lookup: address = sum(context[j] * 2**j); mapper_out = ram_p[address].
    # FLIP output: out_bit = input_bit XOR mapper_out; XOR relaxed arithmetically as
    # a + m - 2*a*m (exact for {0,1} values, differentiable in m).
    n_bits = bits.shape[1]
    B = bits.shape[0]
    sizes = _ram_sizes(n_bits)
    offsets = np.concatenate([[0], np.cumsum(sizes)[:-1]]).astype(np.int32)
    cols = [None] * n_bits
    for p in range(n_bits):
        if p == 0:
            addr = jnp.zeros((B,), dtype=jnp.int32)
        else:
            ctx = bits[:, n_bits - p:][:, ::-1]
            weights = (2 ** jnp.arange(p, dtype=jnp.int32))
            addr = jnp.sum(ctx * weights, axis=1).astype(jnp.int32)
        m = jnp.take(ram, jnp.int32(offsets[p]) + addr)
        inp = bits[:, n_bits - 1 - p].astype(jnp.float32)
        cols[n_bits - 1 - p] = inp + m - 2.0 * inp * m
    return jnp.stack(cols, axis=1)

if __name__ == "__main__":
    import jax
    _d = setup_inputs()
    print(jax.jit(kernel)(*tuple(_d.values())))

</pallas_src>

<mosaic_0001>
#map = affine_map<(d0, d1) -> (0)>
module attributes {stable_mosaic.version = 14 : i64} {
  func.func @_sc_kernel(%arg0: i32, %arg1: i32, %arg2: memref<81920xi32, #tpu.memory_space<hbm>>, %arg3: memref<1048576xf32, #tpu.memory_space<hbm>>, %arg4: memref<81920xf32, #tpu.memory_space<hbm>>, %arg5: memref<2560xi32, #tpu.memory_space<vmem>>, %arg6: memref<128xi32, #tpu.memory_space<vmem>>, %arg7: memref<1024xi32, #tpu.memory_space<vmem>>, %arg8: memref<1152xf32, #tpu.memory_space<vmem>>, %arg9: memref<2048xf32, #tpu.memory_space<vmem>>, %arg10: memref<2560xf32, #tpu.memory_space<vmem>>, %arg11: memref<522240xf32, #tpu.memory_space<vmem_shared>>, %arg12: memref<!tpu.dma_semaphore, #tpu.memory_space<semaphore_mem>>, %arg13: memref<!tpu.dma_semaphore, #tpu.memory_space<semaphore_mem>>, %arg14: memref<!tpu.dma_semaphore, #tpu.memory_space<semaphore_mem>>) attributes {dimension_semantics = [#tpu.dimension_semantics<core_parallel>, #tpu.dimension_semantics<subcore_parallel>], iteration_bounds = array<i64: 2, 16>, scalar_prefetch = 0 : i64, scratch_operands = 10 : i64, tpu.core_type = #tpu.core_type<sc_vector_subcore>, window_params = [{transform_indices = #map}, {transform_indices = #map}, {transform_indices = #map}]} {
    %mul3A = arith.constant 2 : i32
    %mul3A_0 = arith.muli %arg1, %mul3A : i32
    %add3A = arith.addi %mul3A_0, %arg0 : i32
    %mul3A_1 = arith.constant 2560 : i32
    %mul3A_2 = arith.muli %add3A, %mul3A_1 : i32
    %dma_start3A = arith.constant 0 : i32
    %dma_start3A_3 = tpu.memref_slice %arg3[%dma_start3A] : memref<1048576xf32, #tpu.memory_space<hbm>> -> memref<2048xf32, #tpu.memory_space<hbm>>
    %dma_start3A_4 = arith.constant 0 : i32
    %dma_start3A_5 = tpu.memref_slice %arg3[%dma_start3A_4] : memref<1048576xf32, #tpu.memory_space<hbm>> -> memref<2048xf32, #tpu.memory_space<hbm>>
    tpu.enqueue_dma source(%dma_start3A_5 : memref<2048xf32, #tpu.memory_space<hbm>>) target(%arg9 : memref<2048xf32, #tpu.memory_space<vmem>>) target_semaphore(%arg12 : memref<!tpu.dma_semaphore, #tpu.memory_space<semaphore_mem>>)
    %lt3A = arith.constant 4 : i32
    %lt3A_6 = arith.cmpi slt, %arg1, %lt3A : i32
    %convert_element_type3A = arith.extui %lt3A_6 : i1 to i32
    %cond3A = arith.constant 0 : i32
    %cond3A_7 = arith.cmpi ne, %convert_element_type3A, %cond3A : i32
    scf.if %cond3A_7 {
      %mul3A_137 = arith.constant 130560 : i32
      %mul3A_138 = arith.muli %arg1, %mul3A_137 : i32
      %add3A_139 = arith.constant 2048 : i32
      %add3A_140 = arith.addi %add3A_139, %mul3A_138 : i32
      %dma_start3A_141 = tpu.memref_slice %arg11[%mul3A_138] : memref<522240xf32, #tpu.memory_space<vmem_shared>> -> memref<130560xf32, #tpu.memory_space<vmem_shared>>
      %dma_start3A_142 = tpu.memref_slice %arg3[%add3A_140] : memref<1048576xf32, #tpu.memory_space<hbm>> -> memref<130560xf32, #tpu.memory_space<hbm>>
      tpu.enqueue_dma source(%dma_start3A_142 : memref<130560xf32, #tpu.memory_space<hbm>>) target(%dma_start3A_141 : memref<130560xf32, #tpu.memory_space<vmem_shared>>) target_semaphore(%arg13 : memref<!tpu.dma_semaphore, #tpu.memory_space<semaphore_mem>>)
    } else {
    }
    "tpu.region"() ({
      %run_scoped3A = tpu.sem_alloc : memref<!tpu.dma_semaphore, #tpu.memory_space<semaphore_mem>>
      %dma_start3A_137 = tpu.memref_slice %arg2[%mul3A_2] : memref<81920xi32, #tpu.memory_space<hbm>> -> memref<2560xi32, #tpu.memory_space<hbm>>
      %dma_start3A_138 = tpu.memref_slice %arg2[%mul3A_2] : memref<81920xi32, #tpu.memory_space<hbm>> -> memref<2560xi32, #tpu.memory_space<hbm>>
      tpu.enqueue_dma source(%dma_start3A_138 : memref<2560xi32, #tpu.memory_space<hbm>>) target(%arg5 : memref<2560xi32, #tpu.memory_space<vmem>>) target_semaphore(%run_scoped3A : memref<!tpu.dma_semaphore, #tpu.memory_space<semaphore_mem>>)
      %dma_wait3A_139 = tpu.memref_slice %arg2[%mul3A_2] : memref<81920xi32, #tpu.memory_space<hbm>> -> memref<2560xi32, #tpu.memory_space<hbm>>
      %dma_wait3A_140 = tpu.memref_slice %arg2[%mul3A_2] : memref<81920xi32, #tpu.memory_space<hbm>> -> memref<2560xi32, #tpu.memory_space<hbm>>
      tpu.wait_dma2 semaphore(%run_scoped3A : memref<!tpu.dma_semaphore, #tpu.memory_space<semaphore_mem>>) src(%dma_wait3A_140 : memref<2560xi32, #tpu.memory_space<hbm>>) dst(%arg5 : memref<2560xi32, #tpu.memory_space<vmem>>)
      tpu.yield
    }) : () -> ()
    %iota3A = tpu.iota {dimensions = array<i32: 0>} : vector<16xi32>
    %scan3A = arith.constant 0 : i32
    %scan3A_8 = arith.constant 0 : i32
    %scan3A_9 = arith.constant 8 : i32
    %scan3A_10 = arith.addi %scan3A_8, %scan3A_9 : i32
    %scan3A_11 = arith.constant 1 : i32
    scf.for %scan3A_137 = %scan3A_8 to %scan3A_10 step %scan3A_11  : i32 {
      %mul3A_138 = arith.constant 16 : i32
      %mul3A_139 = arith.muli %scan3A_137, %mul3A_138 : i32
      %add3A_140 = vector.broadcast %mul3A_139 : i32 to vector<16xi32>
      %add3A_141 = arith.addi %add3A_140, %iota3A : vector<16xi32>
      %mul3A_142 = arith.constant 20 : i32
      %mul3A_143 = vector.broadcast %mul3A_142 : i32 to vector<16xi32>
      %mul3A_144 = arith.muli %add3A_141, %mul3A_143 : vector<16xi32>
      %broadcast_in_dim3A = arith.constant 0 : i32
      %broadcast_in_dim3A_145 = vector.broadcast %broadcast_in_dim3A : i32 to vector<16xi32>
      %add3A_146 = arith.constant 19 : i32
      %add3A_147 = vector.broadcast %add3A_146 : i32 to vector<16xi32>
      %add3A_148 = arith.addi %mul3A_144, %add3A_147 : vector<16xi32>
      %gather3A = tpu.vector_load_idx %arg5[%add3A_148] : memref<2560xi32, #tpu.memory_space<vmem>>[vector<16xi32>], vector<16xi32>,
      %mul3A_149 = arith.constant 1 : i32
      %mul3A_150 = vector.broadcast %mul3A_149 : i32 to vector<16xi32>
      %mul3A_151 = arith.muli %gather3A, %mul3A_150 : vector<16xi32>
      %add3A_152 = arith.addi %broadcast_in_dim3A_145, %mul3A_151 : vector<16xi32>
      %add3A_153 = arith.constant 18 : i32
      %add3A_154 = vector.broadcast %add3A_153 : i32 to vector<16xi32>
      %add3A_155 = arith.addi %mul3A_144, %add3A_154 : vector<16xi32>
      %gather3A_156 = tpu.vector_load_idx %arg5[%add3A_155] : memref<2560xi32, #tpu.memory_space<vmem>>[vector<16xi32>], vector<16xi32>,
      %mul3A_157 = arith.constant 2 : i32
      %mul3A_158 = vector.broadcast %mul3A_157 : i32 to vector<16xi32>
      %mul3A_159 = arith.muli %gather3A_156, %mul3A_158 : vector<16xi32>
      %add3A_160 = arith.addi %add3A_152, %mul3A_159 : vector<16xi32>
      %add3A_161 = arith.constant 17 : i32
      %add3A_162 = vector.broadcast %add3A_161 : i32 to vector<16xi32>
      %add3A_163 = arith.addi %mul3A_144, %add3A_162 : vector<16xi32>
      %gather3A_164 = tpu.vector_load_idx %arg5[%add3A_163] : memref<2560xi32, #tpu.memory_space<vmem>>[vector<16xi32>], vector<16xi32>,
      %mul3A_165 = arith.constant 4 : i32
      %mul3A_166 = vector.broadcast %mul3A_165 : i32 to vector<16xi32>
      %mul3A_167 = arith.muli %gather3A_164, %mul3A_166 : vector<16xi32>
      %add3A_168 = arith.addi %add3A_160, %mul3A_167 : vector<16xi32>
      %add3A_169 = arith.constant 16 : i32
      %add3A_170 = vector.broadcast %add3A_169 : i32 to vector<16xi32>
      %add3A_171 = arith.addi %mul3A_144, %add3A_170 : vector<16xi32>
      %gather3A_172 = tpu.vector_load_idx %arg5[%add3A_171] : memref<2560xi32, #tpu.memory_space<vmem>>[vector<16xi32>], vector<16xi32>,
      %mul3A_173 = arith.constant 8 : i32
      %mul3A_174 = vector.broadcast %mul3A_173 : i32 to vector<16xi32>
      %mul3A_175 = arith.muli %gather3A_172, %mul3A_174 : vector<16xi32>
      %add3A_176 = arith.addi %add3A_168, %mul3A_175 : vector<16xi32>
      %add3A_177 = arith.constant 15 : i32
      %add3A_178 = vector.broadcast %add3A_177 : i32 to vector<16xi32>
      %add3A_179 = arith.addi %mul3A_144, %add3A_178 : vector<16xi32>
      %gather3A_180 = tpu.vector_load_idx %arg5[%add3A_179] : memref<2560xi32, #tpu.memory_space<vmem>>[vector<16xi32>], vector<16xi32>,
      %mul3A_181 = arith.constant 16 : i32
      %mul3A_182 = vector.broadcast %mul3A_181 : i32 to vector<16xi32>
      %mul3A_183 = arith.muli %gather3A_180, %mul3A_182 : vector<16xi32>
      %add3A_184 = arith.addi %add3A_176, %mul3A_183 : vector<16xi32>
      %add3A_185 = arith.constant 14 : i32
      %add3A_186 = vector.broadcast %add3A_185 : i32 to vector<16xi32>
      %add3A_187 = arith.addi %mul3A_144, %add3A_186 : vector<16xi32>
      %gather3A_188 = tpu.vector_load_idx %arg5[%add3A_187] : memref<2560xi32, #tpu.memory_space<vmem>>[vector<16xi32>], vector<16xi32>,
      %mul3A_189 = arith.constant 32 : i32
      %mul3A_190 = vector.broadcast %mul3A_189 : i32 to vector<16xi32>
      %mul3A_191 = arith.muli %gather3A_188, %mul3A_190 : vector<16xi32>
      %add3A_192 = arith.addi %add3A_184, %mul3A_191 : vector<16xi32>
      %add3A_193 = arith.constant 13 : i32
      %add3A_194 = vector.broadcast %add3A_193 : i32 to vector<16xi32>
      %add3A_195 = arith.addi %mul3A_144, %add3A_194 : vector<16xi32>
      %gather3A_196 = tpu.vector_load_idx %arg5[%add3A_195] : memref<2560xi32, #tpu.memory_space<vmem>>[vector<16xi32>], vector<16xi32>,
      %mul3A_197 = arith.constant 64 : i32
      %mul3A_198 = vector.broadcast %mul3A_197 : i32 to vector<16xi32>
      %mul3A_199 = arith.muli %gather3A_196, %mul3A_198 : vector<16xi32>
      %add3A_200 = arith.addi %add3A_192, %mul3A_199 : vector<16xi32>
      %add3A_201 = arith.constant 12 : i32
      %add3A_202 = vector.broadcast %add3A_201 : i32 to vector<16xi32>
      %add3A_203 = arith.addi %mul3A_144, %add3A_202 : vector<16xi32>
      %gather3A_204 = tpu.vector_load_idx %arg5[%add3A_203] : memref<2560xi32, #tpu.memory_space<vmem>>[vector<16xi32>], vector<16xi32>,
      %mul3A_205 = arith.constant 128 : i32
      %mul3A_206 = vector.broadcast %mul3A_205 : i32 to vector<16xi32>
      %mul3A_207 = arith.muli %gather3A_204, %mul3A_206 : vector<16xi32>
      %add3A_208 = arith.addi %add3A_200, %mul3A_207 : vector<16xi32>
      %add3A_209 = arith.constant 11 : i32
      %add3A_210 = vector.broadcast %add3A_209 : i32 to vector<16xi32>
      %add3A_211 = arith.addi %mul3A_144, %add3A_210 : vector<16xi32>
      %gather3A_212 = tpu.vector_load_idx %arg5[%add3A_211] : memref<2560xi32, #tpu.memory_space<vmem>>[vector<16xi32>], vector<16xi32>,
      %mul3A_213 = arith.constant 256 : i32
      %mul3A_214 = vector.broadcast %mul3A_213 : i32 to vector<16xi32>
      %mul3A_215 = arith.muli %gather3A_212, %mul3A_214 : vector<16xi32>
      %add3A_216 = arith.addi %add3A_208, %mul3A_215 : vector<16xi32>
      %add3A_217 = arith.constant 10 : i32
      %add3A_218 = vector.broadcast %add3A_217 : i32 to vector<16xi32>
      %add3A_219 = arith.addi %mul3A_144, %add3A_218 : vector<16xi32>
      %gather3A_220 = tpu.vector_load_idx %arg5[%add3A_219] : memref<2560xi32, #tpu.memory_space<vmem>>[vector<16xi32>], vector<16xi32>,
      %mul3A_221 = arith.constant 512 : i32
      %mul3A_222 = vector.broadcast %mul3A_221 : i32 to vector<16xi32>
      %mul3A_223 = arith.muli %gather3A_220, %mul3A_222 : vector<16xi32>
      %add3A_224 = arith.addi %add3A_216, %mul3A_223 : vector<16xi32>
      %add3A_225 = arith.constant 9 : i32
      %add3A_226 = vector.broadcast %add3A_225 : i32 to vector<16xi32>
      %add3A_227 = arith.addi %mul3A_144, %add3A_226 : vector<16xi32>
      %gather3A_228 = tpu.vector_load_idx %arg5[%add3A_227] : memref<2560xi32, #tpu.memory_space<vmem>>[vector<16xi32>], vector<16xi32>,
      %mul3A_229 = arith.constant 1024 : i32
      %mul3A_230 = vector.broadcast %mul3A_229 : i32 to vector<16xi32>
      %mul3A_231 = arith.muli %gather3A_228, %mul3A_230 : vector<16xi32>
      %add3A_232 = arith.addi %add3A_224, %mul3A_231 : vector<16xi32>
      %add3A_233 = arith.constant 8 : i32
      %add3A_234 = vector.broadcast %add3A_233 : i32 to vector<16xi32>
      %add3A_235 = arith.addi %mul3A_144, %add3A_234 : vector<16xi32>
      %gather3A_236 = tpu.vector_load_idx %arg5[%add3A_235] : memref<2560xi32, #tpu.memory_space<vmem>>[vector<16xi32>], vector<16xi32>,
      %mul3A_237 = arith.constant 2048 : i32
      %mul3A_238 = vector.broadcast %mul3A_237 : i32 to vector<16xi32>
      %mul3A_239 = arith.muli %gather3A_236, %mul3A_238 : vector<16xi32>
      %add3A_240 = arith.addi %add3A_232, %mul3A_239 : vector<16xi32>
      %add3A_241 = arith.constant 7 : i32
      %add3A_242 = vector.broadcast %add3A_241 : i32 to vector<16xi32>
      %add3A_243 = arith.addi %mul3A_144, %add3A_242 : vector<16xi32>
      %gather3A_244 = tpu.vector_load_idx %arg5[%add3A_243] : memref<2560xi32, #tpu.memory_space<vmem>>[vector<16xi32>], vector<16xi32>,
      %mul3A_245 = arith.constant 4096 : i32
      %mul3A_246 = vector.broadcast %mul3A_245 : i32 to vector<16xi32>
      %mul3A_247 = arith.muli %gather3A_244, %mul3A_246 : vector<16xi32>
      %add3A_248 = arith.addi %add3A_240, %mul3A_247 : vector<16xi32>
      %add3A_249 = arith.constant 6 : i32
      %add3A_250 = vector.broadcast %add3A_249 : i32 to vector<16xi32>
      %add3A_251 = arith.addi %mul3A_144, %add3A_250 : vector<16xi32>
      %gather3A_252 = tpu.vector_load_idx %arg5[%add3A_251] : memref<2560xi32, #tpu.memory_space<vmem>>[vector<16xi32>], vector<16xi32>,
      %mul3A_253 = arith.constant 8192 : i32
      %mul3A_254 = vector.broadcast %mul3A_253 : i32 to vector<16xi32>
      %mul3A_255 = arith.muli %gather3A_252, %mul3A_254 : vector<16xi32>
      %add3A_256 = arith.addi %add3A_248, %mul3A_255 : vector<16xi32>
      %add3A_257 = arith.constant 5 : i32
      %add3A_258 = vector.broadcast %add3A_257 : i32 to vector<16xi32>
      %add3A_259 = arith.addi %mul3A_144, %add3A_258 : vector<16xi32>
      %gather3A_260 = tpu.vector_load_idx %arg5[%add3A_259] : memref<2560xi32, #tpu.memory_space<vmem>>[vector<16xi32>], vector<16xi32>,
      %mul3A_261 = arith.constant 16384 : i32
      %mul3A_262 = vector.broadcast %mul3A_261 : i32 to vector<16xi32>
      %mul3A_263 = arith.muli %gather3A_260, %mul3A_262 : vector<16xi32>
      %add3A_264 = arith.addi %add3A_256, %mul3A_263 : vector<16xi32>
      %add3A_265 = arith.constant 4 : i32
      %add3A_266 = vector.broadcast %add3A_265 : i32 to vector<16xi32>
      %add3A_267 = arith.addi %mul3A_144, %add3A_266 : vector<16xi32>
      %gather3A_268 = tpu.vector_load_idx %arg5[%add3A_267] : memref<2560xi32, #tpu.memory_space<vmem>>[vector<16xi32>], vector<16xi32>,
      %mul3A_269 = arith.constant 32768 : i32
      %mul3A_270 = vector.broadcast %mul3A_269 : i32 to vector<16xi32>
      %mul3A_271 = arith.muli %gather3A_268, %mul3A_270 : vector<16xi32>
      %add3A_272 = arith.addi %add3A_264, %mul3A_271 : vector<16xi32>
      %add3A_273 = arith.constant 3 : i32
      %add3A_274 = vector.broadcast %add3A_273 : i32 to vector<16xi32>
      %add3A_275 = arith.addi %mul3A_144, %add3A_274 : vector<16xi32>
      %gather3A_276 = tpu.vector_load_idx %arg5[%add3A_275] : memref<2560xi32, #tpu.memory_space<vmem>>[vector<16xi32>], vector<16xi32>,
      %mul3A_277 = arith.constant 65536 : i32
      %mul3A_278 = vector.broadcast %mul3A_277 : i32 to vector<16xi32>
      %mul3A_279 = arith.muli %gather3A_276, %mul3A_278 : vector<16xi32>
      %add3A_280 = arith.addi %add3A_272, %mul3A_279 : vector<16xi32>
      %add3A_281 = arith.constant 2 : i32
      %add3A_282 = vector.broadcast %add3A_281 : i32 to vector<16xi32>
      %add3A_283 = arith.addi %mul3A_144, %add3A_282 : vector<16xi32>
      %gather3A_284 = tpu.vector_load_idx %arg5[%add3A_283] : memref<2560xi32, #tpu.memory_space<vmem>>[vector<16xi32>], vector<16xi32>,
      %mul3A_285 = arith.constant 131072 : i32
      %mul3A_286 = vector.broadcast %mul3A_285 : i32 to vector<16xi32>
      %mul3A_287 = arith.muli %gather3A_284, %mul3A_286 : vector<16xi32>
      %add3A_288 = arith.addi %add3A_280, %mul3A_287 : vector<16xi32>
      %add3A_289 = arith.constant 1 : i32
      %add3A_290 = vector.broadcast %add3A_289 : i32 to vector<16xi32>
      %add3A_291 = arith.addi %mul3A_144, %add3A_290 : vector<16xi32>
      %gather3A_292 = tpu.vector_load_idx %arg5[%add3A_291] : memref<2560xi32, #tpu.memory_space<vmem>>[vector<16xi32>], vector<16xi32>,
      %mul3A_293 = arith.constant 262144 : i32
      %mul3A_294 = vector.broadcast %mul3A_293 : i32 to vector<16xi32>
      %mul3A_295 = arith.muli %gather3A_292, %mul3A_294 : vector<16xi32>
      %add3A_296 = arith.addi %add3A_288, %mul3A_295 : vector<16xi32>
      %add3A_297 = arith.constant 0 : i32
      %add3A_298 = vector.broadcast %add3A_297 : i32 to vector<16xi32>
      %add3A_299 = arith.addi %mul3A_144, %add3A_298 : vector<16xi32>
      %gather3A_300 = tpu.vector_load_idx %arg5[%add3A_299] : memref<2560xi32, #tpu.memory_space<vmem>>[vector<16xi32>], vector<16xi32>,
      %mul3A_301 = arith.constant 524288 : i32
      %mul3A_302 = vector.broadcast %mul3A_301 : i32 to vector<16xi32>
      %mul3A_303 = arith.muli %gather3A_300, %mul3A_302 : vector<16xi32>
      %add3A_304 = arith.addi %add3A_296, %mul3A_303 : vector<16xi32>
      %mul3A_305 = arith.constant 16 : i32
      %mul3A_306 = arith.muli %scan3A_137, %mul3A_305 : i32
      %swap3A = arith.index_cast %mul3A_306 : i32 to index
      %swap3A_307 = tpu.vector_load %arg6[%swap3A] {strides = array<i32>} : memref<128xi32, #tpu.memory_space<vmem>>, vector<16xi32>,
      tpu.vector_store %arg6[%swap3A], %add3A_304 {strides = array<i32>} : memref<128xi32, #tpu.memory_space<vmem>>, vector<16xi32>,
      %and3A = arith.constant 2047 : i32
      %and3A_308 = vector.broadcast %and3A : i32 to vector<16xi32>
      %and3A_309 = arith.andi %add3A_304, %and3A_308 : vector<16xi32>
      %add3A_310 = arith.constant 0 : i32
      %add3A_311 = vector.broadcast %add3A_310 : i32 to vector<16xi32>
      %add3A_312 = arith.addi %and3A_309, %add3A_311 : vector<16xi32>
      %mul3A_313 = arith.constant 16 : i32
      %mul3A_314 = arith.muli %scan3A_137, %mul3A_313 : i32
      %add3A_315 = arith.constant 0 : i32
      %add3A_316 = arith.addi %add3A_315, %mul3A_314 : i32
      %swap3A_317 = arith.index_cast %add3A_316 : i32 to index
      %swap3A_318 = tpu.vector_load %arg7[%swap3A_317] {strides = array<i32>} : memref<1024xi32, #tpu.memory_space<vmem>>, vector<16xi32>,
      tpu.vector_store %arg7[%swap3A_317], %add3A_312 {strides = array<i32>} : memref<1024xi32, #tpu.memory_space<vmem>>, vector<16xi32>,
      %and3A_319 = arith.constant 4095 : i32
      %and3A_320 = vector.broadcast %and3A_319 : i32 to vector<16xi32>
      %and3A_321 = arith.andi %add3A_304, %and3A_320 : vector<16xi32>
      %add3A_322 = arith.constant 2048 : i32
      %add3A_323 = vector.broadcast %add3A_322 : i32 to vector<16xi32>
      %add3A_324 = arith.addi %and3A_321, %add3A_323 : vector<16xi32>
      %mul3A_325 = arith.constant 16 : i32
      %mul3A_326 = arith.muli %scan3A_137, %mul3A_325 : i32
      %add3A_327 = arith.constant 128 : i32
      %add3A_328 = arith.addi %add3A_327, %mul3A_326 : i32
      %swap3A_329 = arith.index_cast %add3A_328 : i32 to index
      %swap3A_330 = tpu.vector_load %arg7[%swap3A_329] {strides = array<i32>} : memref<1024xi32, #tpu.memory_space<vmem>>, vector<16xi32>,
      tpu.vector_store %arg7[%swap3A_329], %add3A_324 {strides = array<i32>} : memref<1024xi32, #tpu.memory_space<vmem>>, vector<16xi32>,
      %and3A_331 = arith.constant 8191 : i32
      %and3A_332 = vector.broadcast %and3A_331 : i32 to vector<16xi32>
      %and3A_333 = arith.andi %add3A_304, %and3A_332 : vector<16xi32>
      %add3A_334 = arith.constant 6144 : i32
      %add3A_335 = vector.broadcast %add3A_334 : i32 to vector<16xi32>
      %add3A_336 = arith.addi %and3A_333, %add3A_335 : vector<16xi32>
      %mul3A_337 = arith.constant 16 : i32
      %mul3A_338 = arith.muli %scan3A_137, %mul3A_337 : i32
      %add3A_339 = arith.constant 256 : i32
      %add3A_340 = arith.addi %add3A_339, %mul3A_338 : i32
      %swap3A_341 = arith.index_cast %add3A_340 : i32 to index
      %swap3A_342 = tpu.vector_load %arg7[%swap3A_341] {strides = array<i32>} : memref<1024xi32, #tpu.memory_space<vmem>>, vector<16xi32>,
      tpu.vector_store %arg7[%swap3A_341], %add3A_336 {strides = array<i32>} : memref<1024xi32, #tpu.memory_space<vmem>>, vector<16xi32>,
      %and3A_343 = arith.constant 16383 : i32
      %and3A_344 = vector.broadcast %and3A_343 : i32 to vector<16xi32>
      %and3A_345 = arith.andi %add3A_304, %and3A_344 : vector<16xi32>
      %add3A_346 = arith.constant 14336 : i32
      %add3A_347 = vector.broadcast %add3A_346 : i32 to vector<16xi32>
      %add3A_348 = arith.addi %and3A_345, %add3A_347 : vector<16xi32>
      %mul3A_349 = arith.constant 16 : i32
      %mul3A_350 = arith.muli %scan3A_137, %mul3A_349 : i32
      %add3A_351 = arith.constant 384 : i32
      %add3A_352 = arith.addi %add3A_351, %mul3A_350 : i32
      %swap3A_353 = arith.index_cast %add3A_352 : i32 to index
      %swap3A_354 = tpu.vector_load %arg7[%swap3A_353] {strides = array<i32>} : memref<1024xi32, #tpu.memory_space<vmem>>, vector<16xi32>,
      tpu.vector_store %arg7[%swap3A_353], %add3A_348 {strides = array<i32>} : memref<1024xi32, #tpu.memory_space<vmem>>, vector<16xi32>,
      %and3A_355 = arith.constant 32767 : i32
      %and3A_356 = vector.broadcast %and3A_355 : i32 to vector<16xi32>
      %and3A_357 = arith.andi %add3A_304, %and3A_356 : vector<16xi32>
      %add3A_358 = arith.constant 30720 : i32
      %add3A_359 = vector.broadcast %add3A_358 : i32 to vector<16xi32>
      %add3A_360 = arith.addi %and3A_357, %add3A_359 : vector<16xi32>
      %mul3A_361 = arith.constant 16 : i32
      %mul3A_362 = arith.muli %scan3A_137, %mul3A_361 : i32
      %add3A_363 = arith.constant 512 : i32
      %add3A_364 = arith.addi %add3A_363, %mul3A_362 : i32
      %swap3A_365 = arith.index_cast %add3A_364 : i32 to index
      %swap3A_366 = tpu.vector_load %arg7[%swap3A_365] {strides = array<i32>} : memref<1024xi32, #tpu.memory_space<vmem>>, vector<16xi32>,
      tpu.vector_store %arg7[%swap3A_365], %add3A_360 {strides = array<i32>} : memref<1024xi32, #tpu.memory_space<vmem>>, vector<16xi32>,
      %and3A_367 = arith.constant 65535 : i32
      %and3A_368 = vector.broadcast %and3A_367 : i32 to vector<16xi32>
      %and3A_369 = arith.andi %add3A_304, %and3A_368 : vector<16xi32>
      %add3A_370 = arith.constant 63488 : i32
      %add3A_371 = vector.broadcast %add3A_370 : i32 to vector<16xi32>
      %add3A_372 = arith.addi %and3A_369, %add3A_371 : vector<16xi32>
      %mul3A_373 = arith.constant 16 : i32
      %mul3A_374 = arith.muli %scan3A_137, %mul3A_373 : i32
      %add3A_375 = arith.constant 640 : i32
      %add3A_376 = arith.addi %add3A_375, %mul3A_374 : i32
      %swap3A_377 = arith.index_cast %add3A_376 : i32 to index
      %swap3A_378 = tpu.vector_load %arg7[%swap3A_377] {strides = array<i32>} : memref<1024xi32, #tpu.memory_space<vmem>>, vector<16xi32>,
      tpu.vector_store %arg7[%swap3A_377], %add3A_372 {strides = array<i32>} : memref<1024xi32, #tpu.memory_space<vmem>>, vector<16xi32>,
      %and3A_379 = arith.constant 131071 : i32
      %and3A_380 = vector.broadcast %and3A_379 : i32 to vector<16xi32>
      %and3A_381 = arith.andi %add3A_304, %and3A_380 : vector<16xi32>
      %add3A_382 = arith.constant 129024 : i32
      %add3A_383 = vector.broadcast %add3A_382 : i32 to vector<16xi32>
      %add3A_384 = arith.addi %and3A_381, %add3A_383 : vector<16xi32>
      %mul3A_385 = arith.constant 16 : i32
      %mul3A_386 = arith.muli %scan3A_137, %mul3A_385 : i32
      %add3A_387 = arith.constant 768 : i32
      %add3A_388 = arith.addi %add3A_387, %mul3A_386 : i32
      %swap3A_389 = arith.index_cast %add3A_388 : i32 to index
      %swap3A_390 = tpu.vector_load %arg7[%swap3A_389] {strides = array<i32>} : memref<1024xi32, #tpu.memory_space<vmem>>, vector<16xi32>,
      tpu.vector_store %arg7[%swap3A_389], %add3A_384 {strides = array<i32>} : memref<1024xi32, #tpu.memory_space<vmem>>, vector<16xi32>,
      %and3A_391 = arith.constant 262143 : i32
      %and3A_392 = vector.broadcast %and3A_391 : i32 to vector<16xi32>
      %and3A_393 = arith.andi %add3A_304, %and3A_392 : vector<16xi32>
      %add3A_394 = arith.constant 260096 : i32
      %add3A_395 = vector.broadcast %add3A_394 : i32 to vector<16xi32>
      %add3A_396 = arith.addi %and3A_393, %add3A_395 : vector<16xi32>
      %mul3A_397 = arith.constant 16 : i32
      %mul3A_398 = arith.muli %scan3A_137, %mul3A_397 : i32
      %add3A_399 = arith.constant 896 : i32
      %add3A_400 = arith.addi %add3A_399, %mul3A_398 : i32
      %swap3A_401 = arith.index_cast %add3A_400 : i32 to index
      %swap3A_402 = tpu.vector_load %arg7[%swap3A_401] {strides = array<i32>} : memref<1024xi32, #tpu.memory_space<vmem>>, vector<16xi32>,
      tpu.vector_store %arg7[%swap3A_401], %add3A_396 {strides = array<i32>} : memref<1024xi32, #tpu.memory_space<vmem>>, vector<16xi32>,
      %and3A_403 = arith.constant 524287 : i32
      %and3A_404 = vector.broadcast %and3A_403 : i32 to vector<16xi32>
      %and3A_405 = arith.andi %add3A_304, %and3A_404 : vector<16xi32>
      %add3A_406 = arith.constant 524288 : i32
      %add3A_407 = vector.broadcast %add3A_406 : i32 to vector<16xi32>
      %add3A_408 = arith.addi %and3A_405, %add3A_407 : vector<16xi32>
      %mul3A_409 = arith.constant 16 : i32
      %mul3A_410 = arith.muli %scan3A_137, %mul3A_409 : i32
      %add3A_411 = arith.constant 1024 : i32
      %add3A_412 = arith.addi %add3A_411, %mul3A_410 : i32
      %dma_start3A_413 = tpu.memref_slice %arg8[%add3A_412] : memref<1152xf32, #tpu.memory_space<vmem>> -> memref<16xf32, #tpu.memory_space<vmem>>
      %dma_start3A_414 = arith.constant 0 : i32
      %dma_start3A_415 = tpu.memref_slice %arg3[%dma_start3A_414] : memref<1048576xf32, #tpu.memory_space<hbm>> -> memref<1048576xf32, #tpu.memory_space<hbm>>
      tpu.enqueue_indirect_dma source(%dma_start3A_415 : memref<1048576xf32, #tpu.memory_space<hbm>>) target(%dma_start3A_413 : memref<16xf32, #tpu.memory_space<vmem>>) offsets(%add3A_408 : vector<16xi32>) semaphore(%arg14 : memref<!tpu.dma_semaphore, #tpu.memory_space<semaphore_mem>>)
    }
    %scan3A_12 = arith.constant 8 : i32
    %lt3A_13 = arith.constant 4 : i32
    %lt3A_14 = arith.cmpi slt, %arg1, %lt3A_13 : i32
    %convert_element_type3A_15 = arith.extui %lt3A_14 : i1 to i32
    %cond3A_16 = arith.constant 0 : i32
    %cond3A_17 = arith.cmpi ne, %convert_element_type3A_15, %cond3A_16 : i32
    scf.if %cond3A_17 {
      %mul3A_137 = arith.constant 130560 : i32
      %mul3A_138 = arith.muli %arg1, %mul3A_137 : i32
      %add3A_139 = arith.constant 2048 : i32
      %add3A_140 = arith.addi %add3A_139, %mul3A_138 : i32
      %dma_wait3A_141 = tpu.memref_slice %arg11[%mul3A_138] : memref<522240xf32, #tpu.memory_space<vmem_shared>> -> memref<130560xf32, #tpu.memory_space<vmem_shared>>
      %dma_wait3A_142 = tpu.memref_slice %arg3[%add3A_140] : memref<1048576xf32, #tpu.memory_space<hbm>> -> memref<130560xf32, #tpu.memory_space<hbm>>
      tpu.wait_dma2 semaphore(%arg13 : memref<!tpu.dma_semaphore, #tpu.memory_space<semaphore_mem>>) src(%dma_wait3A_142 : memref<130560xf32, #tpu.memory_space<hbm>>) dst(%dma_wait3A_141 : memref<130560xf32, #tpu.memory_space<vmem_shared>>)
    } else {
    }
    %barrier3A = arith.constant 0 : index
    tpu.barrier barrier_id(%barrier3A)
    %dma_start3A_18 = arith.constant 0 : i32
    %dma_start3A_19 = tpu.memref_slice %arg8[%dma_start3A_18] : memref<1152xf32, #tpu.memory_space<vmem>> -> memref<128xf32, #tpu.memory_space<vmem>>
    %dma_start3A_20 = arith.constant 0 : i32
    %dma_start3A_21 = tpu.memref_slice %arg7[%dma_start3A_20] : memref<1024xi32, #tpu.memory_space<vmem>> -> memref<128xi32, #tpu.memory_space<vmem>>
    %dma_start3A_22 = arith.constant 0 : i32
    %dma_start3A_23 = tpu.memref_slice %arg11[%dma_start3A_22] : memref<522240xf32, #tpu.memory_space<vmem_shared>> -> memref<522240xf32, #tpu.memory_space<vmem_shared>>
    tpu.enqueue_indirect_dma source(%dma_start3A_23 : memref<522240xf32, #tpu.memory_space<vmem_shared>>) target(%dma_start3A_19 : memref<128xf32, #tpu.memory_space<vmem>>) offsets(%dma_start3A_21 : memref<128xi32, #tpu.memory_space<vmem>>) semaphore(%arg14 : memref<!tpu.dma_semaphore, #tpu.memory_space<semaphore_mem>>)
    %dma_start3A_24 = arith.constant 128 : i32
    %dma_start3A_25 = tpu.memref_slice %arg8[%dma_start3A_24] : memref<1152xf32, #tpu.memory_space<vmem>> -> memref<128xf32, #tpu.memory_space<vmem>>
    %dma_start3A_26 = arith.constant 128 : i32
    %dma_start3A_27 = tpu.memref_slice %arg7[%dma_start3A_26] : memref<1024xi32, #tpu.memory_space<vmem>> -> memref<128xi32, #tpu.memory_space<vmem>>
    %dma_start3A_28 = arith.constant 0 : i32
    %dma_start3A_29 = tpu.memref_slice %arg11[%dma_start3A_28] : memref<522240xf32, #tpu.memory_space<vmem_shared>> -> memref<522240xf32, #tpu.memory_space<vmem_shared>>
    tpu.enqueue_indirect_dma source(%dma_start3A_29 : memref<522240xf32, #tpu.memory_space<vmem_shared>>) target(%dma_start3A_25 : memref<128xf32, #tpu.memory_space<vmem>>) offsets(%dma_start3A_27 : memref<128xi32, #tpu.memory_space<vmem>>) semaphore(%arg14 : memref<!tpu.dma_semaphore, #tpu.memory_space<semaphore_mem>>)
    %dma_start3A_30 = arith.constant 256 : i32
    %dma_start3A_31 = tpu.memref_slice %arg8[%dma_start3A_30] : memref<1152xf32, #tpu.memory_space<vmem>> -> memref<128xf32, #tpu.memory_space<vmem>>
    %dma_start3A_32 = arith.constant 256 : i32
    %dma_start3A_33 = tpu.memref_slice %arg7[%dma_start3A_32] : memref<1024xi32, #tpu.memory_space<vmem>> -> memref<128xi32, #tpu.memory_space<vmem>>
    %dma_start3A_34 = arith.constant 0 : i32
    %dma_start3A_35 = tpu.memref_slice %arg11[%dma_start3A_34] : memref<522240xf32, #tpu.memory_space<vmem_shared>> -> memref<522240xf32, #tpu.memory_space<vmem_shared>>
    tpu.enqueue_indirect_dma source(%dma_start3A_35 : memref<522240xf32, #tpu.memory_space<vmem_shared>>) target(%dma_start3A_31 : memref<128xf32, #tpu.memory_space<vmem>>) offsets(%dma_start3A_33 : memref<128xi32, #tpu.memory_space<vmem>>) semaphore(%arg14 : memref<!tpu.dma_semaphore, #tpu.memory_space<semaphore_mem>>)
    %dma_start3A_36 = arith.constant 384 : i32
    %dma_start3A_37 = tpu.memref_slice %arg8[%dma_start3A_36] : memref<1152xf32, #tpu.memory_space<vmem>> -> memref<128xf32, #tpu.memory_space<vmem>>
    %dma_start3A_38 = arith.constant 384 : i32
    %dma_start3A_39 = tpu.memref_slice %arg7[%dma_start3A_38] : memref<1024xi32, #tpu.memory_space<vmem>> -> memref<128xi32, #tpu.memory_space<vmem>>
    %dma_start3A_40 = arith.constant 0 : i32
    %dma_start3A_41 = tpu.memref_slice %arg11[%dma_start3A_40] : memref<522240xf32, #tpu.memory_space<vmem_shared>> -> memref<522240xf32, #tpu.memory_space<vmem_shared>>
    tpu.enqueue_indirect_dma source(%dma_start3A_41 : memref<522240xf32, #tpu.memory_space<vmem_shared>>) target(%dma_start3A_37 : memref<128xf32, #tpu.memory_space<vmem>>) offsets(%dma_start3A_39 : memref<128xi32, #tpu.memory_space<vmem>>) semaphore(%arg14 : memref<!tpu.dma_semaphore, #tpu.memory_space<semaphore_mem>>)
    %dma_start3A_42 = arith.constant 512 : i32
    %dma_start3A_43 = tpu.memref_slice %arg8[%dma_start3A_42] : memref<1152xf32, #tpu.memory_space<vmem>> -> memref<128xf32, #tpu.memory_space<vmem>>
    %dma_start3A_44 = arith.constant 512 : i32
    %dma_start3A_45 = tpu.memref_slice %arg7[%dma_start3A_44] : memref<1024xi32, #tpu.memory_space<vmem>> -> memref<128xi32, #tpu.memory_space<vmem>>
    %dma_start3A_46 = arith.constant 0 : i32
    %dma_start3A_47 = tpu.memref_slice %arg11[%dma_start3A_46] : memref<522240xf32, #tpu.memory_space<vmem_shared>> -> memref<522240xf32, #tpu.memory_space<vmem_shared>>
    tpu.enqueue_indirect_dma source(%dma_start3A_47 : memref<522240xf32, #tpu.memory_space<vmem_shared>>) target(%dma_start3A_43 : memref<128xf32, #tpu.memory_space<vmem>>) offsets(%dma_start3A_45 : memref<128xi32, #tpu.memory_space<vmem>>) semaphore(%arg14 : memref<!tpu.dma_semaphore, #tpu.memory_space<semaphore_mem>>)
    %dma_start3A_48 = arith.constant 640 : i32
    %dma_start3A_49 = tpu.memref_slice %arg8[%dma_start3A_48] : memref<1152xf32, #tpu.memory_space<vmem>> -> memref<128xf32, #tpu.memory_space<vmem>>
    %dma_start3A_50 = arith.constant 640 : i32
    %dma_start3A_51 = tpu.memref_slice %arg7[%dma_start3A_50] : memref<1024xi32, #tpu.memory_space<vmem>> -> memref<128xi32, #tpu.memory_space<vmem>>
    %dma_start3A_52 = arith.constant 0 : i32
    %dma_start3A_53 = tpu.memref_slice %arg11[%dma_start3A_52] : memref<522240xf32, #tpu.memory_space<vmem_shared>> -> memref<522240xf32, #tpu.memory_space<vmem_shared>>
    tpu.enqueue_indirect_dma source(%dma_start3A_53 : memref<522240xf32, #tpu.memory_space<vmem_shared>>) target(%dma_start3A_49 : memref<128xf32, #tpu.memory_space<vmem>>) offsets(%dma_start3A_51 : memref<128xi32, #tpu.memory_space<vmem>>) semaphore(%arg14 : memref<!tpu.dma_semaphore, #tpu.memory_space<semaphore_mem>>)
    %dma_start3A_54 = arith.constant 768 : i32
    %dma_start3A_55 = tpu.memref_slice %arg8[%dma_start3A_54] : memref<1152xf32, #tpu.memory_space<vmem>> -> memref<128xf32, #tpu.memory_space<vmem>>
    %dma_start3A_56 = arith.constant 768 : i32
    %dma_start3A_57 = tpu.memref_slice %arg7[%dma_start3A_56] : memref<1024xi32, #tpu.memory_space<vmem>> -> memref<128xi32, #tpu.memory_space<vmem>>
    %dma_start3A_58 = arith.constant 0 : i32
    %dma_start3A_59 = tpu.memref_slice %arg11[%dma_start3A_58] : memref<522240xf32, #tpu.memory_space<vmem_shared>> -> memref<522240xf32, #tpu.memory_space<vmem_shared>>
    tpu.enqueue_indirect_dma source(%dma_start3A_59 : memref<522240xf32, #tpu.memory_space<vmem_shared>>) target(%dma_start3A_55 : memref<128xf32, #tpu.memory_space<vmem>>) offsets(%dma_start3A_57 : memref<128xi32, #tpu.memory_space<vmem>>) semaphore(%arg14 : memref<!tpu.dma_semaphore, #tpu.memory_space<semaphore_mem>>)
    %dma_start3A_60 = arith.constant 896 : i32
    %dma_start3A_61 = tpu.memref_slice %arg8[%dma_start3A_60] : memref<1152xf32, #tpu.memory_space<vmem>> -> memref<128xf32, #tpu.memory_space<vmem>>
    %dma_start3A_62 = arith.constant 896 : i32
    %dma_start3A_63 = tpu.memref_slice %arg7[%dma_start3A_62] : memref<1024xi32, #tpu.memory_space<vmem>> -> memref<128xi32, #tpu.memory_space<vmem>>
    %dma_start3A_64 = arith.constant 0 : i32
    %dma_start3A_65 = tpu.memref_slice %arg11[%dma_start3A_64] : memref<522240xf32, #tpu.memory_space<vmem_shared>> -> memref<522240xf32, #tpu.memory_space<vmem_shared>>
    tpu.enqueue_indirect_dma source(%dma_start3A_65 : memref<522240xf32, #tpu.memory_space<vmem_shared>>) target(%dma_start3A_61 : memref<128xf32, #tpu.memory_space<vmem>>) offsets(%dma_start3A_63 : memref<128xi32, #tpu.memory_space<vmem>>) semaphore(%arg14 : memref<!tpu.dma_semaphore, #tpu.memory_space<semaphore_mem>>)
    %dma_wait3A = arith.constant 0 : i32
    %dma_wait3A_66 = tpu.memref_slice %arg3[%dma_wait3A] : memref<1048576xf32, #tpu.memory_space<hbm>> -> memref<2048xf32, #tpu.memory_space<hbm>>
    %dma_wait3A_67 = arith.constant 0 : i32
    %dma_wait3A_68 = tpu.memref_slice %arg3[%dma_wait3A_67] : memref<1048576xf32, #tpu.memory_space<hbm>> -> memref<2048xf32, #tpu.memory_space<hbm>>
    tpu.wait_dma2 semaphore(%arg12 : memref<!tpu.dma_semaphore, #tpu.memory_space<semaphore_mem>>) src(%dma_wait3A_68 : memref<2048xf32, #tpu.memory_space<hbm>>) dst(%arg9 : memref<2048xf32, #tpu.memory_space<vmem>>)
    %scan3A_69 = arith.constant 0 : i32
    %scan3A_70 = arith.constant 0 : i32
    %scan3A_71 = arith.constant 8 : i32
    %scan3A_72 = arith.addi %scan3A_70, %scan3A_71 : i32
    %scan3A_73 = arith.constant 1 : i32
    scf.for %scan3A_137 = %scan3A_70 to %scan3A_72 step %scan3A_73  : i32 {
      %mul3A_138 = arith.constant 16 : i32
      %mul3A_139 = arith.muli %scan3A_137, %mul3A_138 : i32
      %add3A_140 = vector.broadcast %mul3A_139 : i32 to vector<16xi32>
      %add3A_141 = arith.addi %add3A_140, %iota3A : vector<16xi32>
      %mul3A_142 = arith.constant 20 : i32
      %mul3A_143 = vector.broadcast %mul3A_142 : i32 to vector<16xi32>
      %mul3A_144 = arith.muli %add3A_141, %mul3A_143 : vector<16xi32>
      %mul3A_145 = arith.constant 16 : i32
      %mul3A_146 = arith.muli %scan3A_137, %mul3A_145 : i32
      %get3A = arith.index_cast %mul3A_146 : i32 to index
      %get3A_147 = tpu.vector_load %arg6[%get3A] {strides = array<i32>} : memref<128xi32, #tpu.memory_space<vmem>>, vector<16xi32>,
      %shift_right_arithmetic3A = arith.constant 20 : i32
      %shift_right_arithmetic3A_148 = vector.broadcast %shift_right_arithmetic3A : i32 to vector<16xi32>
      %shift_right_arithmetic3A_149 = arith.shrsi %get3A_147, %shift_right_arithmetic3A_148 : vector<16xi32>
      %gather3A = tpu.vector_load_idx %arg9[%shift_right_arithmetic3A_149] : memref<2048xf32, #tpu.memory_space<vmem>>[vector<16xi32>], vector<16xf32>,
      %shift_right_arithmetic3A_150 = arith.constant 0 : i32
      %shift_right_arithmetic3A_151 = vector.broadcast %shift_right_arithmetic3A_150 : i32 to vector<16xi32>
      %shift_right_arithmetic3A_152 = arith.shrsi %get3A_147, %shift_right_arithmetic3A_151 : vector<16xi32>
      %and3A = arith.constant 1 : i32
      %and3A_153 = vector.broadcast %and3A : i32 to vector<16xi32>
      %and3A_154 = arith.andi %shift_right_arithmetic3A_152, %and3A_153 : vector<16xi32>
      %convert_element_type3A_155 = arith.sitofp %and3A_154 : vector<16xi32> to vector<16xf32>
      %add3A_156 = arith.constant 19 : i32
      %add3A_157 = vector.broadcast %add3A_156 : i32 to vector<16xi32>
      %add3A_158 = arith.addi %mul3A_144, %add3A_157 : vector<16xi32>
      %add3A_159 = arith.addf %convert_element_type3A_155, %gather3A : vector<16xf32>
      %mul3A_160 = arith.constant 2.000000e+00 : f32
      %mul3A_161 = vector.broadcast %mul3A_160 : f32 to vector<16xf32>
      %mul3A_162 = arith.mulf %mul3A_161, %convert_element_type3A_155 : vector<16xf32>
      %mul3A_163 = arith.mulf %mul3A_162, %gather3A : vector<16xf32>
      %sub3A = arith.subf %add3A_159, %mul3A_163 : vector<16xf32>
      tpu.vector_store_idx %arg10[%add3A_158], %sub3A : memref<2560xf32, #tpu.memory_space<vmem>>[vector<16xi32>], vector<16xf32>,
      %and3A_164 = arith.constant 1 : i32
      %and3A_165 = vector.broadcast %and3A_164 : i32 to vector<16xi32>
      %and3A_166 = arith.andi %get3A_147, %and3A_165 : vector<16xi32>
      %add3A_167 = arith.constant 2 : i32
      %add3A_168 = vector.broadcast %add3A_167 : i32 to vector<16xi32>
      %add3A_169 = arith.addi %and3A_166, %add3A_168 : vector<16xi32>
      %gather3A_170 = tpu.vector_load_idx %arg9[%add3A_169] : memref<2048xf32, #tpu.memory_space<vmem>>[vector<16xi32>], vector<16xf32>,
      %shift_right_arithmetic3A_171 = arith.constant 1 : i32
      %shift_right_arithmetic3A_172 = vector.broadcast %shift_right_arithmetic3A_171 : i32 to vector<16xi32>
      %shift_right_arithmetic3A_173 = arith.shrsi %get3A_147, %shift_right_arithmetic3A_172 : vector<16xi32>
      %and3A_174 = arith.constant 1 : i32
      %and3A_175 = vector.broadcast %and3A_174 : i32 to vector<16xi32>
      %and3A_176 = arith.andi %shift_right_arithmetic3A_173, %and3A_175 : vector<16xi32>
      %convert_element_type3A_177 = arith.sitofp %and3A_176 : vector<16xi32> to vector<16xf32>
      %add3A_178 = arith.constant 18 : i32
      %add3A_179 = vector.broadcast %add3A_178 : i32 to vector<16xi32>
      %add3A_180 = arith.addi %mul3A_144, %add3A_179 : vector<16xi32>
      %add3A_181 = arith.addf %convert_element_type3A_177, %gather3A_170 : vector<16xf32>
      %mul3A_182 = arith.constant 2.000000e+00 : f32
      %mul3A_183 = vector.broadcast %mul3A_182 : f32 to vector<16xf32>
      %mul3A_184 = arith.mulf %mul3A_183, %convert_element_type3A_177 : vector<16xf32>
      %mul3A_185 = arith.mulf %mul3A_184, %gather3A_170 : vector<16xf32>
      %sub3A_186 = arith.subf %add3A_181, %mul3A_185 : vector<16xf32>
      tpu.vector_store_idx %arg10[%add3A_180], %sub3A_186 : memref<2560xf32, #tpu.memory_space<vmem>>[vector<16xi32>], vector<16xf32>,
      %and3A_187 = arith.constant 3 : i32
      %and3A_188 = vector.broadcast %and3A_187 : i32 to vector<16xi32>
      %and3A_189 = arith.andi %get3A_147, %and3A_188 : vector<16xi32>
      %add3A_190 = arith.constant 4 : i32
      %add3A_191 = vector.broadcast %add3A_190 : i32 to vector<16xi32>
      %add3A_192 = arith.addi %and3A_189, %add3A_191 : vector<16xi32>
      %gather3A_193 = tpu.vector_load_idx %arg9[%add3A_192] : memref<2048xf32, #tpu.memory_space<vmem>>[vector<16xi32>], vector<16xf32>,
      %shift_right_arithmetic3A_194 = arith.constant 2 : i32
      %shift_right_arithmetic3A_195 = vector.broadcast %shift_right_arithmetic3A_194 : i32 to vector<16xi32>
      %shift_right_arithmetic3A_196 = arith.shrsi %get3A_147, %shift_right_arithmetic3A_195 : vector<16xi32>
      %and3A_197 = arith.constant 1 : i32
      %and3A_198 = vector.broadcast %and3A_197 : i32 to vector<16xi32>
      %and3A_199 = arith.andi %shift_right_arithmetic3A_196, %and3A_198 : vector<16xi32>
      %convert_element_type3A_200 = arith.sitofp %and3A_199 : vector<16xi32> to vector<16xf32>
      %add3A_201 = arith.constant 17 : i32
      %add3A_202 = vector.broadcast %add3A_201 : i32 to vector<16xi32>
      %add3A_203 = arith.addi %mul3A_144, %add3A_202 : vector<16xi32>
      %add3A_204 = arith.addf %convert_element_type3A_200, %gather3A_193 : vector<16xf32>
      %mul3A_205 = arith.constant 2.000000e+00 : f32
      %mul3A_206 = vector.broadcast %mul3A_205 : f32 to vector<16xf32>
      %mul3A_207 = arith.mulf %mul3A_206, %convert_element_type3A_200 : vector<16xf32>
      %mul3A_208 = arith.mulf %mul3A_207, %gather3A_193 : vector<16xf32>
      %sub3A_209 = arith.subf %add3A_204, %mul3A_208 : vector<16xf32>
      tpu.vector_store_idx %arg10[%add3A_203], %sub3A_209 : memref<2560xf32, #tpu.memory_space<vmem>>[vector<16xi32>], vector<16xf32>,
      %and3A_210 = arith.constant 7 : i32
      %and3A_211 = vector.broadcast %and3A_210 : i32 to vector<16xi32>
      %and3A_212 = arith.andi %get3A_147, %and3A_211 : vector<16xi32>
      %add3A_213 = arith.constant 8 : i32
      %add3A_214 = vector.broadcast %add3A_213 : i32 to vector<16xi32>
      %add3A_215 = arith.addi %and3A_212, %add3A_214 : vector<16xi32>
      %gather3A_216 = tpu.vector_load_idx %arg9[%add3A_215] : memref<2048xf32, #tpu.memory_space<vmem>>[vector<16xi32>], vector<16xf32>,
      %shift_right_arithmetic3A_217 = arith.constant 3 : i32
      %shift_right_arithmetic3A_218 = vector.broadcast %shift_right_arithmetic3A_217 : i32 to vector<16xi32>
      %shift_right_arithmetic3A_219 = arith.shrsi %get3A_147, %shift_right_arithmetic3A_218 : vector<16xi32>
      %and3A_220 = arith.constant 1 : i32
      %and3A_221 = vector.broadcast %and3A_220 : i32 to vector<16xi32>
      %and3A_222 = arith.andi %shift_right_arithmetic3A_219, %and3A_221 : vector<16xi32>
      %convert_element_type3A_223 = arith.sitofp %and3A_222 : vector<16xi32> to vector<16xf32>
      %add3A_224 = arith.constant 16 : i32
      %add3A_225 = vector.broadcast %add3A_224 : i32 to vector<16xi32>
      %add3A_226 = arith.addi %mul3A_144, %add3A_225 : vector<16xi32>
      %add3A_227 = arith.addf %convert_element_type3A_223, %gather3A_216 : vector<16xf32>
      %mul3A_228 = arith.constant 2.000000e+00 : f32
      %mul3A_229 = vector.broadcast %mul3A_228 : f32 to vector<16xf32>
      %mul3A_230 = arith.mulf %mul3A_229, %convert_element_type3A_223 : vector<16xf32>
      %mul3A_231 = arith.mulf %mul3A_230, %gather3A_216 : vector<16xf32>
      %sub3A_232 = arith.subf %add3A_227, %mul3A_231 : vector<16xf32>
      tpu.vector_store_idx %arg10[%add3A_226], %sub3A_232 : memref<2560xf32, #tpu.memory_space<vmem>>[vector<16xi32>], vector<16xf32>,
      %and3A_233 = arith.constant 15 : i32
      %and3A_234 = vector.broadcast %and3A_233 : i32 to vector<16xi32>
      %and3A_235 = arith.andi %get3A_147, %and3A_234 : vector<16xi32>
      %add3A_236 = arith.constant 16 : i32
      %add3A_237 = vector.broadcast %add3A_236 : i32 to vector<16xi32>
      %add3A_238 = arith.addi %and3A_235, %add3A_237 : vector<16xi32>
      %gather3A_239 = tpu.vector_load_idx %arg9[%add3A_238] : memref<2048xf32, #tpu.memory_space<vmem>>[vector<16xi32>], vector<16xf32>,
      %shift_right_arithmetic3A_240 = arith.constant 4 : i32
      %shift_right_arithmetic3A_241 = vector.broadcast %shift_right_arithmetic3A_240 : i32 to vector<16xi32>
      %shift_right_arithmetic3A_242 = arith.shrsi %get3A_147, %shift_right_arithmetic3A_241 : vector<16xi32>
      %and3A_243 = arith.constant 1 : i32
      %and3A_244 = vector.broadcast %and3A_243 : i32 to vector<16xi32>
      %and3A_245 = arith.andi %shift_right_arithmetic3A_242, %and3A_244 : vector<16xi32>
      %convert_element_type3A_246 = arith.sitofp %and3A_245 : vector<16xi32> to vector<16xf32>
      %add3A_247 = arith.constant 15 : i32
      %add3A_248 = vector.broadcast %add3A_247 : i32 to vector<16xi32>
      %add3A_249 = arith.addi %mul3A_144, %add3A_248 : vector<16xi32>
      %add3A_250 = arith.addf %convert_element_type3A_246, %gather3A_239 : vector<16xf32>
      %mul3A_251 = arith.constant 2.000000e+00 : f32
      %mul3A_252 = vector.broadcast %mul3A_251 : f32 to vector<16xf32>
      %mul3A_253 = arith.mulf %mul3A_252, %convert_element_type3A_246 : vector<16xf32>
      %mul3A_254 = arith.mulf %mul3A_253, %gather3A_239 : vector<16xf32>
      %sub3A_255 = arith.subf %add3A_250, %mul3A_254 : vector<16xf32>
      tpu.vector_store_idx %arg10[%add3A_249], %sub3A_255 : memref<2560xf32, #tpu.memory_space<vmem>>[vector<16xi32>], vector<16xf32>,
      %and3A_256 = arith.constant 31 : i32
      %and3A_257 = vector.broadcast %and3A_256 : i32 to vector<16xi32>
      %and3A_258 = arith.andi %get3A_147, %and3A_257 : vector<16xi32>
      %add3A_259 = arith.constant 32 : i32
      %add3A_260 = vector.broadcast %add3A_259 : i32 to vector<16xi32>
      %add3A_261 = arith.addi %and3A_258, %add3A_260 : vector<16xi32>
      %gather3A_262 = tpu.vector_load_idx %arg9[%add3A_261] : memref<2048xf32, #tpu.memory_space<vmem>>[vector<16xi32>], vector<16xf32>,
      %shift_right_arithmetic3A_263 = arith.constant 5 : i32
      %shift_right_arithmetic3A_264 = vector.broadcast %shift_right_arithmetic3A_263 : i32 to vector<16xi32>
      %shift_right_arithmetic3A_265 = arith.shrsi %get3A_147, %shift_right_arithmetic3A_264 : vector<16xi32>
      %and3A_266 = arith.constant 1 : i32
      %and3A_267 = vector.broadcast %and3A_266 : i32 to vector<16xi32>
      %and3A_268 = arith.andi %shift_right_arithmetic3A_265, %and3A_267 : vector<16xi32>
      %convert_element_type3A_269 = arith.sitofp %and3A_268 : vector<16xi32> to vector<16xf32>
      %add3A_270 = arith.constant 14 : i32
      %add3A_271 = vector.broadcast %add3A_270 : i32 to vector<16xi32>
      %add3A_272 = arith.addi %mul3A_144, %add3A_271 : vector<16xi32>
      %add3A_273 = arith.addf %convert_element_type3A_269, %gather3A_262 : vector<16xf32>
      %mul3A_274 = arith.constant 2.000000e+00 : f32
      %mul3A_275 = vector.broadcast %mul3A_274 : f32 to vector<16xf32>
      %mul3A_276 = arith.mulf %mul3A_275, %convert_element_type3A_269 : vector<16xf32>
      %mul3A_277 = arith.mulf %mul3A_276, %gather3A_262 : vector<16xf32>
      %sub3A_278 = arith.subf %add3A_273, %mul3A_277 : vector<16xf32>
      tpu.vector_store_idx %arg10[%add3A_272], %sub3A_278 : memref<2560xf32, #tpu.memory_space<vmem>>[vector<16xi32>], vector<16xf32>,
      %and3A_279 = arith.constant 63 : i32
      %and3A_280 = vector.broadcast %and3A_279 : i32 to vector<16xi32>
      %and3A_281 = arith.andi %get3A_147, %and3A_280 : vector<16xi32>
      %add3A_282 = arith.constant 64 : i32
      %add3A_283 = vector.broadcast %add3A_282 : i32 to vector<16xi32>
      %add3A_284 = arith.addi %and3A_281, %add3A_283 : vector<16xi32>
      %gather3A_285 = tpu.vector_load_idx %arg9[%add3A_284] : memref<2048xf32, #tpu.memory_space<vmem>>[vector<16xi32>], vector<16xf32>,
      %shift_right_arithmetic3A_286 = arith.constant 6 : i32
      %shift_right_arithmetic3A_287 = vector.broadcast %shift_right_arithmetic3A_286 : i32 to vector<16xi32>
      %shift_right_arithmetic3A_288 = arith.shrsi %get3A_147, %shift_right_arithmetic3A_287 : vector<16xi32>
      %and3A_289 = arith.constant 1 : i32
      %and3A_290 = vector.broadcast %and3A_289 : i32 to vector<16xi32>
      %and3A_291 = arith.andi %shift_right_arithmetic3A_288, %and3A_290 : vector<16xi32>
      %convert_element_type3A_292 = arith.sitofp %and3A_291 : vector<16xi32> to vector<16xf32>
      %add3A_293 = arith.constant 13 : i32
      %add3A_294 = vector.broadcast %add3A_293 : i32 to vector<16xi32>
      %add3A_295 = arith.addi %mul3A_144, %add3A_294 : vector<16xi32>
      %add3A_296 = arith.addf %convert_element_type3A_292, %gather3A_285 : vector<16xf32>
      %mul3A_297 = arith.constant 2.000000e+00 : f32
      %mul3A_298 = vector.broadcast %mul3A_297 : f32 to vector<16xf32>
      %mul3A_299 = arith.mulf %mul3A_298, %convert_element_type3A_292 : vector<16xf32>
      %mul3A_300 = arith.mulf %mul3A_299, %gather3A_285 : vector<16xf32>
      %sub3A_301 = arith.subf %add3A_296, %mul3A_300 : vector<16xf32>
      tpu.vector_store_idx %arg10[%add3A_295], %sub3A_301 : memref<2560xf32, #tpu.memory_space<vmem>>[vector<16xi32>], vector<16xf32>,
      %and3A_302 = arith.constant 127 : i32
      %and3A_303 = vector.broadcast %and3A_302 : i32 to vector<16xi32>
      %and3A_304 = arith.andi %get3A_147, %and3A_303 : vector<16xi32>
      %add3A_305 = arith.constant 128 : i32
      %add3A_306 = vector.broadcast %add3A_305 : i32 to vector<16xi32>
      %add3A_307 = arith.addi %and3A_304, %add3A_306 : vector<16xi32>
      %gather3A_308 = tpu.vector_load_idx %arg9[%add3A_307] : memref<2048xf32, #tpu.memory_space<vmem>>[vector<16xi32>], vector<16xf32>,
      %shift_right_arithmetic3A_309 = arith.constant 7 : i32
      %shift_right_arithmetic3A_310 = vector.broadcast %shift_right_arithmetic3A_309 : i32 to vector<16xi32>
      %shift_right_arithmetic3A_311 = arith.shrsi %get3A_147, %shift_right_arithmetic3A_310 : vector<16xi32>
      %and3A_312 = arith.constant 1 : i32
      %and3A_313 = vector.broadcast %and3A_312 : i32 to vector<16xi32>
      %and3A_314 = arith.andi %shift_right_arithmetic3A_311, %and3A_313 : vector<16xi32>
      %convert_element_type3A_315 = arith.sitofp %and3A_314 : vector<16xi32> to vector<16xf32>
      %add3A_316 = arith.constant 12 : i32
      %add3A_317 = vector.broadcast %add3A_316 : i32 to vector<16xi32>
      %add3A_318 = arith.addi %mul3A_144, %add3A_317 : vector<16xi32>
      %add3A_319 = arith.addf %convert_element_type3A_315, %gather3A_308 : vector<16xf32>
      %mul3A_320 = arith.constant 2.000000e+00 : f32
      %mul3A_321 = vector.broadcast %mul3A_320 : f32 to vector<16xf32>
      %mul3A_322 = arith.mulf %mul3A_321, %convert_element_type3A_315 : vector<16xf32>
      %mul3A_323 = arith.mulf %mul3A_322, %gather3A_308 : vector<16xf32>
      %sub3A_324 = arith.subf %add3A_319, %mul3A_323 : vector<16xf32>
      tpu.vector_store_idx %arg10[%add3A_318], %sub3A_324 : memref<2560xf32, #tpu.memory_space<vmem>>[vector<16xi32>], vector<16xf32>,
      %and3A_325 = arith.constant 255 : i32
      %and3A_326 = vector.broadcast %and3A_325 : i32 to vector<16xi32>
      %and3A_327 = arith.andi %get3A_147, %and3A_326 : vector<16xi32>
      %add3A_328 = arith.constant 256 : i32
      %add3A_329 = vector.broadcast %add3A_328 : i32 to vector<16xi32>
      %add3A_330 = arith.addi %and3A_327, %add3A_329 : vector<16xi32>
      %gather3A_331 = tpu.vector_load_idx %arg9[%add3A_330] : memref<2048xf32, #tpu.memory_space<vmem>>[vector<16xi32>], vector<16xf32>,
      %shift_right_arithmetic3A_332 = arith.constant 8 : i32
      %shift_right_arithmetic3A_333 = vector.broadcast %shift_right_arithmetic3A_332 : i32 to vector<16xi32>
      %shift_right_arithmetic3A_334 = arith.shrsi %get3A_147, %shift_right_arithmetic3A_333 : vector<16xi32>
      %and3A_335 = arith.constant 1 : i32
      %and3A_336 = vector.broadcast %and3A_335 : i32 to vector<16xi32>
      %and3A_337 = arith.andi %shift_right_arithmetic3A_334, %and3A_336 : vector<16xi32>
      %convert_element_type3A_338 = arith.sitofp %and3A_337 : vector<16xi32> to vector<16xf32>
      %add3A_339 = arith.constant 11 : i32
      %add3A_340 = vector.broadcast %add3A_339 : i32 to vector<16xi32>
      %add3A_341 = arith.addi %mul3A_144, %add3A_340 : vector<16xi32>
      %add3A_342 = arith.addf %convert_element_type3A_338, %gather3A_331 : vector<16xf32>
      %mul3A_343 = arith.constant 2.000000e+00 : f32
      %mul3A_344 = vector.broadcast %mul3A_343 : f32 to vector<16xf32>
      %mul3A_345 = arith.mulf %mul3A_344, %convert_element_type3A_338 : vector<16xf32>
      %mul3A_346 = arith.mulf %mul3A_345, %gather3A_331 : vector<16xf32>
      %sub3A_347 = arith.subf %add3A_342, %mul3A_346 : vector<16xf32>
      tpu.vector_store_idx %arg10[%add3A_341], %sub3A_347 : memref<2560xf32, #tpu.memory_space<vmem>>[vector<16xi32>], vector<16xf32>,
      %and3A_348 = arith.constant 511 : i32
      %and3A_349 = vector.broadcast %and3A_348 : i32 to vector<16xi32>
      %and3A_350 = arith.andi %get3A_147, %and3A_349 : vector<16xi32>
      %add3A_351 = arith.constant 512 : i32
      %add3A_352 = vector.broadcast %add3A_351 : i32 to vector<16xi32>
      %add3A_353 = arith.addi %and3A_350, %add3A_352 : vector<16xi32>
      %gather3A_354 = tpu.vector_load_idx %arg9[%add3A_353] : memref<2048xf32, #tpu.memory_space<vmem>>[vector<16xi32>], vector<16xf32>,
      %shift_right_arithmetic3A_355 = arith.constant 9 : i32
      %shift_right_arithmetic3A_356 = vector.broadcast %shift_right_arithmetic3A_355 : i32 to vector<16xi32>
      %shift_right_arithmetic3A_357 = arith.shrsi %get3A_147, %shift_right_arithmetic3A_356 : vector<16xi32>
      %and3A_358 = arith.constant 1 : i32
      %and3A_359 = vector.broadcast %and3A_358 : i32 to vector<16xi32>
      %and3A_360 = arith.andi %shift_right_arithmetic3A_357, %and3A_359 : vector<16xi32>
      %convert_element_type3A_361 = arith.sitofp %and3A_360 : vector<16xi32> to vector<16xf32>
      %add3A_362 = arith.constant 10 : i32
      %add3A_363 = vector.broadcast %add3A_362 : i32 to vector<16xi32>
      %add3A_364 = arith.addi %mul3A_144, %add3A_363 : vector<16xi32>
      %add3A_365 = arith.addf %convert_element_type3A_361, %gather3A_354 : vector<16xf32>
      %mul3A_366 = arith.constant 2.000000e+00 : f32
      %mul3A_367 = vector.broadcast %mul3A_366 : f32 to vector<16xf32>
      %mul3A_368 = arith.mulf %mul3A_367, %convert_element_type3A_361 : vector<16xf32>
      %mul3A_369 = arith.mulf %mul3A_368, %gather3A_354 : vector<16xf32>
      %sub3A_370 = arith.subf %add3A_365, %mul3A_369 : vector<16xf32>
      tpu.vector_store_idx %arg10[%add3A_364], %sub3A_370 : memref<2560xf32, #tpu.memory_space<vmem>>[vector<16xi32>], vector<16xf32>,
      %and3A_371 = arith.constant 1023 : i32
      %and3A_372 = vector.broadcast %and3A_371 : i32 to vector<16xi32>
      %and3A_373 = arith.andi %get3A_147, %and3A_372 : vector<16xi32>
      %add3A_374 = arith.constant 1024 : i32
      %add3A_375 = vector.broadcast %add3A_374 : i32 to vector<16xi32>
      %add3A_376 = arith.addi %and3A_373, %add3A_375 : vector<16xi32>
      %gather3A_377 = tpu.vector_load_idx %arg9[%add3A_376] : memref<2048xf32, #tpu.memory_space<vmem>>[vector<16xi32>], vector<16xf32>,
      %shift_right_arithmetic3A_378 = arith.constant 10 : i32
      %shift_right_arithmetic3A_379 = vector.broadcast %shift_right_arithmetic3A_378 : i32 to vector<16xi32>
      %shift_right_arithmetic3A_380 = arith.shrsi %get3A_147, %shift_right_arithmetic3A_379 : vector<16xi32>
      %and3A_381 = arith.constant 1 : i32
      %and3A_382 = vector.broadcast %and3A_381 : i32 to vector<16xi32>
      %and3A_383 = arith.andi %shift_right_arithmetic3A_380, %and3A_382 : vector<16xi32>
      %convert_element_type3A_384 = arith.sitofp %and3A_383 : vector<16xi32> to vector<16xf32>
      %add3A_385 = arith.constant 9 : i32
      %add3A_386 = vector.broadcast %add3A_385 : i32 to vector<16xi32>
      %add3A_387 = arith.addi %mul3A_144, %add3A_386 : vector<16xi32>
      %add3A_388 = arith.addf %convert_element_type3A_384, %gather3A_377 : vector<16xf32>
      %mul3A_389 = arith.constant 2.000000e+00 : f32
      %mul3A_390 = vector.broadcast %mul3A_389 : f32 to vector<16xf32>
      %mul3A_391 = arith.mulf %mul3A_390, %convert_element_type3A_384 : vector<16xf32>
      %mul3A_392 = arith.mulf %mul3A_391, %gather3A_377 : vector<16xf32>
      %sub3A_393 = arith.subf %add3A_388, %mul3A_392 : vector<16xf32>
      tpu.vector_store_idx %arg10[%add3A_387], %sub3A_393 : memref<2560xf32, #tpu.memory_space<vmem>>[vector<16xi32>], vector<16xf32>,
    }
    %scan3A_74 = arith.constant 8 : i32
    %dma_wait3A_75 = arith.constant 0 : i32
    %dma_wait3A_76 = tpu.memref_slice %arg8[%dma_wait3A_75] : memref<1152xf32, #tpu.memory_space<vmem>> -> memref<128xf32, #tpu.memory_space<vmem>>
    %dma_wait3A_77 = arith.constant 0 : i32
    %dma_wait3A_78 = tpu.memref_slice %arg7[%dma_wait3A_77] : memref<1024xi32, #tpu.memory_space<vmem>> -> memref<128xi32, #tpu.memory_space<vmem>>
    %dma_wait3A_79 = arith.constant 0 : i32
    %dma_wait3A_80 = tpu.memref_slice %arg11[%dma_wait3A_79] : memref<522240xf32, #tpu.memory_space<vmem_shared>> -> memref<522240xf32, #tpu.memory_space<vmem_shared>>
    tpu.wait_indirect_dma semaphore(%arg14 : memref<!tpu.dma_semaphore, #tpu.memory_space<semaphore_mem>>) src(%dma_wait3A_80 : memref<522240xf32, #tpu.memory_space<vmem_shared>>) dst(%dma_wait3A_76 : memref<128xf32, #tpu.memory_space<vmem>>)
    %dma_wait3A_81 = arith.constant 128 : i32
    %dma_wait3A_82 = tpu.memref_slice %arg8[%dma_wait3A_81] : memref<1152xf32, #tpu.memory_space<vmem>> -> memref<128xf32, #tpu.memory_space<vmem>>
    %dma_wait3A_83 = arith.constant 128 : i32
    %dma_wait3A_84 = tpu.memref_slice %arg7[%dma_wait3A_83] : memref<1024xi32, #tpu.memory_space<vmem>> -> memref<128xi32, #tpu.memory_space<vmem>>
    %dma_wait3A_85 = arith.constant 0 : i32
    %dma_wait3A_86 = tpu.memref_slice %arg11[%dma_wait3A_85] : memref<522240xf32, #tpu.memory_space<vmem_shared>> -> memref<522240xf32, #tpu.memory_space<vmem_shared>>
    tpu.wait_indirect_dma semaphore(%arg14 : memref<!tpu.dma_semaphore, #tpu.memory_space<semaphore_mem>>) src(%dma_wait3A_86 : memref<522240xf32, #tpu.memory_space<vmem_shared>>) dst(%dma_wait3A_82 : memref<128xf32, #tpu.memory_space<vmem>>)
    %dma_wait3A_87 = arith.constant 256 : i32
    %dma_wait3A_88 = tpu.memref_slice %arg8[%dma_wait3A_87] : memref<1152xf32, #tpu.memory_space<vmem>> -> memref<128xf32, #tpu.memory_space<vmem>>
    %dma_wait3A_89 = arith.constant 256 : i32
    %dma_wait3A_90 = tpu.memref_slice %arg7[%dma_wait3A_89] : memref<1024xi32, #tpu.memory_space<vmem>> -> memref<128xi32, #tpu.memory_space<vmem>>
    %dma_wait3A_91 = arith.constant 0 : i32
    %dma_wait3A_92 = tpu.memref_slice %arg11[%dma_wait3A_91] : memref<522240xf32, #tpu.memory_space<vmem_shared>> -> memref<522240xf32, #tpu.memory_space<vmem_shared>>
    tpu.wait_indirect_dma semaphore(%arg14 : memref<!tpu.dma_semaphore, #tpu.memory_space<semaphore_mem>>) src(%dma_wait3A_92 : memref<522240xf32, #tpu.memory_space<vmem_shared>>) dst(%dma_wait3A_88 : memref<128xf32, #tpu.memory_space<vmem>>)
    %dma_wait3A_93 = arith.constant 384 : i32
    %dma_wait3A_94 = tpu.memref_slice %arg8[%dma_wait3A_93] : memref<1152xf32, #tpu.memory_space<vmem>> -> memref<128xf32, #tpu.memory_space<vmem>>
    %dma_wait3A_95 = arith.constant 384 : i32
    %dma_wait3A_96 = tpu.memref_slice %arg7[%dma_wait3A_95] : memref<1024xi32, #tpu.memory_space<vmem>> -> memref<128xi32, #tpu.memory_space<vmem>>
    %dma_wait3A_97 = arith.constant 0 : i32
    %dma_wait3A_98 = tpu.memref_slice %arg11[%dma_wait3A_97] : memref<522240xf32, #tpu.memory_space<vmem_shared>> -> memref<522240xf32, #tpu.memory_space<vmem_shared>>
    tpu.wait_indirect_dma semaphore(%arg14 : memref<!tpu.dma_semaphore, #tpu.memory_space<semaphore_mem>>) src(%dma_wait3A_98 : memref<522240xf32, #tpu.memory_space<vmem_shared>>) dst(%dma_wait3A_94 : memref<128xf32, #tpu.memory_space<vmem>>)
    %dma_wait3A_99 = arith.constant 512 : i32
    %dma_wait3A_100 = tpu.memref_slice %arg8[%dma_wait3A_99] : memref<1152xf32, #tpu.memory_space<vmem>> -> memref<128xf32, #tpu.memory_space<vmem>>
    %dma_wait3A_101 = arith.constant 512 : i32
    %dma_wait3A_102 = tpu.memref_slice %arg7[%dma_wait3A_101] : memref<1024xi32, #tpu.memory_space<vmem>> -> memref<128xi32, #tpu.memory_space<vmem>>
    %dma_wait3A_103 = arith.constant 0 : i32
    %dma_wait3A_104 = tpu.memref_slice %arg11[%dma_wait3A_103] : memref<522240xf32, #tpu.memory_space<vmem_shared>> -> memref<522240xf32, #tpu.memory_space<vmem_shared>>
    tpu.wait_indirect_dma semaphore(%arg14 : memref<!tpu.dma_semaphore, #tpu.memory_space<semaphore_mem>>) src(%dma_wait3A_104 : memref<522240xf32, #tpu.memory_space<vmem_shared>>) dst(%dma_wait3A_100 : memref<128xf32, #tpu.memory_space<vmem>>)
    %dma_wait3A_105 = arith.constant 640 : i32
    %dma_wait3A_106 = tpu.memref_slice %arg8[%dma_wait3A_105] : memref<1152xf32, #tpu.memory_space<vmem>> -> memref<128xf32, #tpu.memory_space<vmem>>
    %dma_wait3A_107 = arith.constant 640 : i32
    %dma_wait3A_108 = tpu.memref_slice %arg7[%dma_wait3A_107] : memref<1024xi32, #tpu.memory_space<vmem>> -> memref<128xi32, #tpu.memory_space<vmem>>
    %dma_wait3A_109 = arith.constant 0 : i32
    %dma_wait3A_110 = tpu.memref_slice %arg11[%dma_wait3A_109] : memref<522240xf32, #tpu.memory_space<vmem_shared>> -> memref<522240xf32, #tpu.memory_space<vmem_shared>>
    tpu.wait_indirect_dma semaphore(%arg14 : memref<!tpu.dma_semaphore, #tpu.memory_space<semaphore_mem>>) src(%dma_wait3A_110 : memref<522240xf32, #tpu.memory_space<vmem_shared>>) dst(%dma_wait3A_106 : memref<128xf32, #tpu.memory_space<vmem>>)
    %dma_wait3A_111 = arith.constant 768 : i32
    %dma_wait3A_112 = tpu.memref_slice %arg8[%dma_wait3A_111] : memref<1152xf32, #tpu.memory_space<vmem>> -> memref<128xf32, #tpu.memory_space<vmem>>
    %dma_wait3A_113 = arith.constant 768 : i32
    %dma_wait3A_114 = tpu.memref_slice %arg7[%dma_wait3A_113] : memref<1024xi32, #tpu.memory_space<vmem>> -> memref<128xi32, #tpu.memory_space<vmem>>
    %dma_wait3A_115 = arith.constant 0 : i32
    %dma_wait3A_116 = tpu.memref_slice %arg11[%dma_wait3A_115] : memref<522240xf32, #tpu.memory_space<vmem_shared>> -> memref<522240xf32, #tpu.memory_space<vmem_shared>>
    tpu.wait_indirect_dma semaphore(%arg14 : memref<!tpu.dma_semaphore, #tpu.memory_space<semaphore_mem>>) src(%dma_wait3A_116 : memref<522240xf32, #tpu.memory_space<vmem_shared>>) dst(%dma_wait3A_112 : memref<128xf32, #tpu.memory_space<vmem>>)
    %dma_wait3A_117 = arith.constant 896 : i32
    %dma_wait3A_118 = tpu.memref_slice %arg8[%dma_wait3A_117] : memref<1152xf32, #tpu.memory_space<vmem>> -> memref<128xf32, #tpu.memory_space<vmem>>
    %dma_wait3A_119 = arith.constant 896 : i32
    %dma_wait3A_120 = tpu.memref_slice %arg7[%dma_wait3A_119] : memref<1024xi32, #tpu.memory_space<vmem>> -> memref<128xi32, #tpu.memory_space<vmem>>
    %dma_wait3A_121 = arith.constant 0 : i32
    %dma_wait3A_122 = tpu.memref_slice %arg11[%dma_wait3A_121] : memref<522240xf32, #tpu.memory_space<vmem_shared>> -> memref<522240xf32, #tpu.memory_space<vmem_shared>>
    tpu.wait_indirect_dma semaphore(%arg14 : memref<!tpu.dma_semaphore, #tpu.memory_space<semaphore_mem>>) src(%dma_wait3A_122 : memref<522240xf32, #tpu.memory_space<vmem_shared>>) dst(%dma_wait3A_118 : memref<128xf32, #tpu.memory_space<vmem>>)
    %dma_wait3A_123 = arith.constant 1024 : i32
    %dma_wait3A_124 = tpu.memref_slice %arg8[%dma_wait3A_123] : memref<1152xf32, #tpu.memory_space<vmem>> -> memref<128xf32, #tpu.memory_space<vmem>>
    %dma_wait3A_125 = arith.constant 0 : i32
    %dma_wait3A_126 = tpu.memref_slice %arg3[%dma_wait3A_125] : memref<1048576xf32, #tpu.memory_space<hbm>> -> memref<128xf32, #tpu.memory_space<hbm>>
    %dma_wait3A_127 = arith.constant 1024 : i32
    %dma_wait3A_128 = tpu.memref_slice %arg8[%dma_wait3A_127] : memref<1152xf32, #tpu.memory_space<vmem>> -> memref<128xf32, #tpu.memory_space<vmem>>
    %dma_wait3A_129 = arith.constant 0 : i32
    %dma_wait3A_130 = tpu.memref_slice %arg3[%dma_wait3A_129] : memref<1048576xf32, #tpu.memory_space<hbm>> -> memref<128xf32, #tpu.memory_space<hbm>>
    tpu.wait_dma2 semaphore(%arg14 : memref<!tpu.dma_semaphore, #tpu.memory_space<semaphore_mem>>) src(%dma_wait3A_130 : memref<128xf32, #tpu.memory_space<hbm>>) dst(%dma_wait3A_128 : memref<128xf32, #tpu.memory_space<vmem>>)
    %scan3A_131 = arith.constant 0 : i32
    %scan3A_132 = arith.constant 0 : i32
    %scan3A_133 = arith.constant 8 : i32
    %scan3A_134 = arith.addi %scan3A_132, %scan3A_133 : i32
    %scan3A_135 = arith.constant 1 : i32
    scf.for %scan3A_137 = %scan3A_132 to %scan3A_134 step %scan3A_135  : i32 {
      %mul3A_138 = arith.constant 16 : i32
      %mul3A_139 = arith.muli %scan3A_137, %mul3A_138 : i32
      %add3A_140 = vector.broadcast %mul3A_139 : i32 to vector<16xi32>
      %add3A_141 = arith.addi %add3A_140, %iota3A : vector<16xi32>
      %mul3A_142 = arith.constant 20 : i32
      %mul3A_143 = vector.broadcast %mul3A_142 : i32 to vector<16xi32>
      %mul3A_144 = arith.muli %add3A_141, %mul3A_143 : vector<16xi32>
      %mul3A_145 = arith.constant 16 : i32
      %mul3A_146 = arith.muli %scan3A_137, %mul3A_145 : i32
      %get3A = arith.index_cast %mul3A_146 : i32 to index
      %get3A_147 = tpu.vector_load %arg6[%get3A] {strides = array<i32>} : memref<128xi32, #tpu.memory_space<vmem>>, vector<16xi32>,
      %mul3A_148 = arith.constant 16 : i32
      %mul3A_149 = arith.muli %scan3A_137, %mul3A_148 : i32
      %add3A_150 = arith.constant 0 : i32
      %add3A_151 = arith.addi %add3A_150, %mul3A_149 : i32
      %get3A_152 = arith.index_cast %add3A_151 : i32 to index
      %get3A_153 = tpu.vector_load %arg8[%get3A_152] {strides = array<i32>} : memref<1152xf32, #tpu.memory_space<vmem>>, vector<16xf32>,
      %shift_right_arithmetic3A = arith.constant 11 : i32
      %shift_right_arithmetic3A_154 = vector.broadcast %shift_right_arithmetic3A : i32 to vector<16xi32>
      %shift_right_arithmetic3A_155 = arith.shrsi %get3A_147, %shift_right_arithmetic3A_154 : vector<16xi32>
      %and3A = arith.constant 1 : i32
      %and3A_156 = vector.broadcast %and3A : i32 to vector<16xi32>
      %and3A_157 = arith.andi %shift_right_arithmetic3A_155, %and3A_156 : vector<16xi32>
      %convert_element_type3A_158 = arith.sitofp %and3A_157 : vector<16xi32> to vector<16xf32>
      %add3A_159 = arith.constant 8 : i32
      %add3A_160 = vector.broadcast %add3A_159 : i32 to vector<16xi32>
      %add3A_161 = arith.addi %mul3A_144, %add3A_160 : vector<16xi32>
      %add3A_162 = arith.addf %convert_element_type3A_158, %get3A_153 : vector<16xf32>
      %mul3A_163 = arith.constant 2.000000e+00 : f32
      %mul3A_164 = vector.broadcast %mul3A_163 : f32 to vector<16xf32>
      %mul3A_165 = arith.mulf %mul3A_164, %convert_element_type3A_158 : vector<16xf32>
      %mul3A_166 = arith.mulf %mul3A_165, %get3A_153 : vector<16xf32>
      %sub3A = arith.subf %add3A_162, %mul3A_166 : vector<16xf32>
      tpu.vector_store_idx %arg10[%add3A_161], %sub3A : memref<2560xf32, #tpu.memory_space<vmem>>[vector<16xi32>], vector<16xf32>,
      %mul3A_167 = arith.constant 16 : i32
      %mul3A_168 = arith.muli %scan3A_137, %mul3A_167 : i32
      %add3A_169 = arith.constant 128 : i32
      %add3A_170 = arith.addi %add3A_169, %mul3A_168 : i32
      %get3A_171 = arith.index_cast %add3A_170 : i32 to index
      %get3A_172 = tpu.vector_load %arg8[%get3A_171] {strides = array<i32>} : memref<1152xf32, #tpu.memory_space<vmem>>, vector<16xf32>,
      %shift_right_arithmetic3A_173 = arith.constant 12 : i32
      %shift_right_arithmetic3A_174 = vector.broadcast %shift_right_arithmetic3A_173 : i32 to vector<16xi32>
      %shift_right_arithmetic3A_175 = arith.shrsi %get3A_147, %shift_right_arithmetic3A_174 : vector<16xi32>
      %and3A_176 = arith.constant 1 : i32
      %and3A_177 = vector.broadcast %and3A_176 : i32 to vector<16xi32>
      %and3A_178 = arith.andi %shift_right_arithmetic3A_175, %and3A_177 : vector<16xi32>
      %convert_element_type3A_179 = arith.sitofp %and3A_178 : vector<16xi32> to vector<16xf32>
      %add3A_180 = arith.constant 7 : i32
      %add3A_181 = vector.broadcast %add3A_180 : i32 to vector<16xi32>
      %add3A_182 = arith.addi %mul3A_144, %add3A_181 : vector<16xi32>
      %add3A_183 = arith.addf %convert_element_type3A_179, %get3A_172 : vector<16xf32>
      %mul3A_184 = arith.constant 2.000000e+00 : f32
      %mul3A_185 = vector.broadcast %mul3A_184 : f32 to vector<16xf32>
      %mul3A_186 = arith.mulf %mul3A_185, %convert_element_type3A_179 : vector<16xf32>
      %mul3A_187 = arith.mulf %mul3A_186, %get3A_172 : vector<16xf32>
      %sub3A_188 = arith.subf %add3A_183, %mul3A_187 : vector<16xf32>
      tpu.vector_store_idx %arg10[%add3A_182], %sub3A_188 : memref<2560xf32, #tpu.memory_space<vmem>>[vector<16xi32>], vector<16xf32>,
      %mul3A_189 = arith.constant 16 : i32
      %mul3A_190 = arith.muli %scan3A_137, %mul3A_189 : i32
      %add3A_191 = arith.constant 256 : i32
      %add3A_192 = arith.addi %add3A_191, %mul3A_190 : i32
      %get3A_193 = arith.index_cast %add3A_192 : i32 to index
      %get3A_194 = tpu.vector_load %arg8[%get3A_193] {strides = array<i32>} : memref<1152xf32, #tpu.memory_space<vmem>>, vector<16xf32>,
      %shift_right_arithmetic3A_195 = arith.constant 13 : i32
      %shift_right_arithmetic3A_196 = vector.broadcast %shift_right_arithmetic3A_195 : i32 to vector<16xi32>
      %shift_right_arithmetic3A_197 = arith.shrsi %get3A_147, %shift_right_arithmetic3A_196 : vector<16xi32>
      %and3A_198 = arith.constant 1 : i32
      %and3A_199 = vector.broadcast %and3A_198 : i32 to vector<16xi32>
      %and3A_200 = arith.andi %shift_right_arithmetic3A_197, %and3A_199 : vector<16xi32>
      %convert_element_type3A_201 = arith.sitofp %and3A_200 : vector<16xi32> to vector<16xf32>
      %add3A_202 = arith.constant 6 : i32
      %add3A_203 = vector.broadcast %add3A_202 : i32 to vector<16xi32>
      %add3A_204 = arith.addi %mul3A_144, %add3A_203 : vector<16xi32>
      %add3A_205 = arith.addf %convert_element_type3A_201, %get3A_194 : vector<16xf32>
      %mul3A_206 = arith.constant 2.000000e+00 : f32
      %mul3A_207 = vector.broadcast %mul3A_206 : f32 to vector<16xf32>
      %mul3A_208 = arith.mulf %mul3A_207, %convert_element_type3A_201 : vector<16xf32>
      %mul3A_209 = arith.mulf %mul3A_208, %get3A_194 : vector<16xf32>
      %sub3A_210 = arith.subf %add3A_205, %mul3A_209 : vector<16xf32>
      tpu.vector_store_idx %arg10[%add3A_204], %sub3A_210 : memref<2560xf32, #tpu.memory_space<vmem>>[vector<16xi32>], vector<16xf32>,
      %mul3A_211 = arith.constant 16 : i32
      %mul3A_212 = arith.muli %scan3A_137, %mul3A_211 : i32
      %add3A_213 = arith.constant 384 : i32
      %add3A_214 = arith.addi %add3A_213, %mul3A_212 : i32
      %get3A_215 = arith.index_cast %add3A_214 : i32 to index
      %get3A_216 = tpu.vector_load %arg8[%get3A_215] {strides = array<i32>} : memref<1152xf32, #tpu.memory_space<vmem>>, vector<16xf32>,
      %shift_right_arithmetic3A_217 = arith.constant 14 : i32
      %shift_right_arithmetic3A_218 = vector.broadcast %shift_right_arithmetic3A_217 : i32 to vector<16xi32>
      %shift_right_arithmetic3A_219 = arith.shrsi %get3A_147, %shift_right_arithmetic3A_218 : vector<16xi32>
      %and3A_220 = arith.constant 1 : i32
      %and3A_221 = vector.broadcast %and3A_220 : i32 to vector<16xi32>
      %and3A_222 = arith.andi %shift_right_arithmetic3A_219, %and3A_221 : vector<16xi32>
      %convert_element_type3A_223 = arith.sitofp %and3A_222 : vector<16xi32> to vector<16xf32>
      %add3A_224 = arith.constant 5 : i32
      %add3A_225 = vector.broadcast %add3A_224 : i32 to vector<16xi32>
      %add3A_226 = arith.addi %mul3A_144, %add3A_225 : vector<16xi32>
      %add3A_227 = arith.addf %convert_element_type3A_223, %get3A_216 : vector<16xf32>
      %mul3A_228 = arith.constant 2.000000e+00 : f32
      %mul3A_229 = vector.broadcast %mul3A_228 : f32 to vector<16xf32>
      %mul3A_230 = arith.mulf %mul3A_229, %convert_element_type3A_223 : vector<16xf32>
      %mul3A_231 = arith.mulf %mul3A_230, %get3A_216 : vector<16xf32>
      %sub3A_232 = arith.subf %add3A_227, %mul3A_231 : vector<16xf32>
      tpu.vector_store_idx %arg10[%add3A_226], %sub3A_232 : memref<2560xf32, #tpu.memory_space<vmem>>[vector<16xi32>], vector<16xf32>,
      %mul3A_233 = arith.constant 16 : i32
      %mul3A_234 = arith.muli %scan3A_137, %mul3A_233 : i32
      %add3A_235 = arith.constant 512 : i32
      %add3A_236 = arith.addi %add3A_235, %mul3A_234 : i32
      %get3A_237 = arith.index_cast %add3A_236 : i32 to index
      %get3A_238 = tpu.vector_load %arg8[%get3A_237] {strides = array<i32>} : memref<1152xf32, #tpu.memory_space<vmem>>, vector<16xf32>,
      %shift_right_arithmetic3A_239 = arith.constant 15 : i32
      %shift_right_arithmetic3A_240 = vector.broadcast %shift_right_arithmetic3A_239 : i32 to vector<16xi32>
      %shift_right_arithmetic3A_241 = arith.shrsi %get3A_147, %shift_right_arithmetic3A_240 : vector<16xi32>
      %and3A_242 = arith.constant 1 : i32
      %and3A_243 = vector.broadcast %and3A_242 : i32 to vector<16xi32>
      %and3A_244 = arith.andi %shift_right_arithmetic3A_241, %and3A_243 : vector<16xi32>
      %convert_element_type3A_245 = arith.sitofp %and3A_244 : vector<16xi32> to vector<16xf32>
      %add3A_246 = arith.constant 4 : i32
      %add3A_247 = vector.broadcast %add3A_246 : i32 to vector<16xi32>
      %add3A_248 = arith.addi %mul3A_144, %add3A_247 : vector<16xi32>
      %add3A_249 = arith.addf %convert_element_type3A_245, %get3A_238 : vector<16xf32>
      %mul3A_250 = arith.constant 2.000000e+00 : f32
      %mul3A_251 = vector.broadcast %mul3A_250 : f32 to vector<16xf32>
      %mul3A_252 = arith.mulf %mul3A_251, %convert_element_type3A_245 : vector<16xf32>
      %mul3A_253 = arith.mulf %mul3A_252, %get3A_238 : vector<16xf32>
      %sub3A_254 = arith.subf %add3A_249, %mul3A_253 : vector<16xf32>
      tpu.vector_store_idx %arg10[%add3A_248], %sub3A_254 : memref<2560xf32, #tpu.memory_space<vmem>>[vector<16xi32>], vector<16xf32>,
      %mul3A_255 = arith.constant 16 : i32
      %mul3A_256 = arith.muli %scan3A_137, %mul3A_255 : i32
      %add3A_257 = arith.constant 640 : i32
      %add3A_258 = arith.addi %add3A_257, %mul3A_256 : i32
      %get3A_259 = arith.index_cast %add3A_258 : i32 to index
      %get3A_260 = tpu.vector_load %arg8[%get3A_259] {strides = array<i32>} : memref<1152xf32, #tpu.memory_space<vmem>>, vector<16xf32>,
      %shift_right_arithmetic3A_261 = arith.constant 16 : i32
      %shift_right_arithmetic3A_262 = vector.broadcast %shift_right_arithmetic3A_261 : i32 to vector<16xi32>
      %shift_right_arithmetic3A_263 = arith.shrsi %get3A_147, %shift_right_arithmetic3A_262 : vector<16xi32>
      %and3A_264 = arith.constant 1 : i32
      %and3A_265 = vector.broadcast %and3A_264 : i32 to vector<16xi32>
      %and3A_266 = arith.andi %shift_right_arithmetic3A_263, %and3A_265 : vector<16xi32>
      %convert_element_type3A_267 = arith.sitofp %and3A_266 : vector<16xi32> to vector<16xf32>
      %add3A_268 = arith.constant 3 : i32
      %add3A_269 = vector.broadcast %add3A_268 : i32 to vector<16xi32>
      %add3A_270 = arith.addi %mul3A_144, %add3A_269 : vector<16xi32>
      %add3A_271 = arith.addf %convert_element_type3A_267, %get3A_260 : vector<16xf32>
      %mul3A_272 = arith.constant 2.000000e+00 : f32
      %mul3A_273 = vector.broadcast %mul3A_272 : f32 to vector<16xf32>
      %mul3A_274 = arith.mulf %mul3A_273, %convert_element_type3A_267 : vector<16xf32>
      %mul3A_275 = arith.mulf %mul3A_274, %get3A_260 : vector<16xf32>
      %sub3A_276 = arith.subf %add3A_271, %mul3A_275 : vector<16xf32>
      tpu.vector_store_idx %arg10[%add3A_270], %sub3A_276 : memref<2560xf32, #tpu.memory_space<vmem>>[vector<16xi32>], vector<16xf32>,
      %mul3A_277 = arith.constant 16 : i32
      %mul3A_278 = arith.muli %scan3A_137, %mul3A_277 : i32
      %add3A_279 = arith.constant 768 : i32
      %add3A_280 = arith.addi %add3A_279, %mul3A_278 : i32
      %get3A_281 = arith.index_cast %add3A_280 : i32 to index
      %get3A_282 = tpu.vector_load %arg8[%get3A_281] {strides = array<i32>} : memref<1152xf32, #tpu.memory_space<vmem>>, vector<16xf32>,
      %shift_right_arithmetic3A_283 = arith.constant 17 : i32
      %shift_right_arithmetic3A_284 = vector.broadcast %shift_right_arithmetic3A_283 : i32 to vector<16xi32>
      %shift_right_arithmetic3A_285 = arith.shrsi %get3A_147, %shift_right_arithmetic3A_284 : vector<16xi32>
      %and3A_286 = arith.constant 1 : i32
      %and3A_287 = vector.broadcast %and3A_286 : i32 to vector<16xi32>
      %and3A_288 = arith.andi %shift_right_arithmetic3A_285, %and3A_287 : vector<16xi32>
      %convert_element_type3A_289 = arith.sitofp %and3A_288 : vector<16xi32> to vector<16xf32>
      %add3A_290 = arith.constant 2 : i32
      %add3A_291 = vector.broadcast %add3A_290 : i32 to vector<16xi32>
      %add3A_292 = arith.addi %mul3A_144, %add3A_291 : vector<16xi32>
      %add3A_293 = arith.addf %convert_element_type3A_289, %get3A_282 : vector<16xf32>
      %mul3A_294 = arith.constant 2.000000e+00 : f32
      %mul3A_295 = vector.broadcast %mul3A_294 : f32 to vector<16xf32>
      %mul3A_296 = arith.mulf %mul3A_295, %convert_element_type3A_289 : vector<16xf32>
      %mul3A_297 = arith.mulf %mul3A_296, %get3A_282 : vector<16xf32>
      %sub3A_298 = arith.subf %add3A_293, %mul3A_297 : vector<16xf32>
      tpu.vector_store_idx %arg10[%add3A_292], %sub3A_298 : memref<2560xf32, #tpu.memory_space<vmem>>[vector<16xi32>], vector<16xf32>,
      %mul3A_299 = arith.constant 16 : i32
      %mul3A_300 = arith.muli %scan3A_137, %mul3A_299 : i32
      %add3A_301 = arith.constant 896 : i32
      %add3A_302 = arith.addi %add3A_301, %mul3A_300 : i32
      %get3A_303 = arith.index_cast %add3A_302 : i32 to index
      %get3A_304 = tpu.vector_load %arg8[%get3A_303] {strides = array<i32>} : memref<1152xf32, #tpu.memory_space<vmem>>, vector<16xf32>,
      %shift_right_arithmetic3A_305 = arith.constant 18 : i32
      %shift_right_arithmetic3A_306 = vector.broadcast %shift_right_arithmetic3A_305 : i32 to vector<16xi32>
      %shift_right_arithmetic3A_307 = arith.shrsi %get3A_147, %shift_right_arithmetic3A_306 : vector<16xi32>
      %and3A_308 = arith.constant 1 : i32
      %and3A_309 = vector.broadcast %and3A_308 : i32 to vector<16xi32>
      %and3A_310 = arith.andi %shift_right_arithmetic3A_307, %and3A_309 : vector<16xi32>
      %convert_element_type3A_311 = arith.sitofp %and3A_310 : vector<16xi32> to vector<16xf32>
      %add3A_312 = arith.constant 1 : i32
      %add3A_313 = vector.broadcast %add3A_312 : i32 to vector<16xi32>
      %add3A_314 = arith.addi %mul3A_144, %add3A_313 : vector<16xi32>
      %add3A_315 = arith.addf %convert_element_type3A_311, %get3A_304 : vector<16xf32>
      %mul3A_316 = arith.constant 2.000000e+00 : f32
      %mul3A_317 = vector.broadcast %mul3A_316 : f32 to vector<16xf32>
      %mul3A_318 = arith.mulf %mul3A_317, %convert_element_type3A_311 : vector<16xf32>
      %mul3A_319 = arith.mulf %mul3A_318, %get3A_304 : vector<16xf32>
      %sub3A_320 = arith.subf %add3A_315, %mul3A_319 : vector<16xf32>
      tpu.vector_store_idx %arg10[%add3A_314], %sub3A_320 : memref<2560xf32, #tpu.memory_space<vmem>>[vector<16xi32>], vector<16xf32>,
      %mul3A_321 = arith.constant 16 : i32
      %mul3A_322 = arith.muli %scan3A_137, %mul3A_321 : i32
      %add3A_323 = arith.constant 1024 : i32
      %add3A_324 = arith.addi %add3A_323, %mul3A_322 : i32
      %get3A_325 = arith.index_cast %add3A_324 : i32 to index
      %get3A_326 = tpu.vector_load %arg8[%get3A_325] {strides = array<i32>} : memref<1152xf32, #tpu.memory_space<vmem>>, vector<16xf32>,
      %shift_right_arithmetic3A_327 = arith.constant 19 : i32
      %shift_right_arithmetic3A_328 = vector.broadcast %shift_right_arithmetic3A_327 : i32 to vector<16xi32>
      %shift_right_arithmetic3A_329 = arith.shrsi %get3A_147, %shift_right_arithmetic3A_328 : vector<16xi32>
      %and3A_330 = arith.constant 1 : i32
      %and3A_331 = vector.broadcast %and3A_330 : i32 to vector<16xi32>
      %and3A_332 = arith.andi %shift_right_arithmetic3A_329, %and3A_331 : vector<16xi32>
      %convert_element_type3A_333 = arith.sitofp %and3A_332 : vector<16xi32> to vector<16xf32>
      %add3A_334 = arith.constant 0 : i32
      %add3A_335 = vector.broadcast %add3A_334 : i32 to vector<16xi32>
      %add3A_336 = arith.addi %mul3A_144, %add3A_335 : vector<16xi32>
      %add3A_337 = arith.addf %convert_element_type3A_333, %get3A_326 : vector<16xf32>
      %mul3A_338 = arith.constant 2.000000e+00 : f32
      %mul3A_339 = vector.broadcast %mul3A_338 : f32 to vector<16xf32>
      %mul3A_340 = arith.mulf %mul3A_339, %convert_element_type3A_333 : vector<16xf32>
      %mul3A_341 = arith.mulf %mul3A_340, %get3A_326 : vector<16xf32>
      %sub3A_342 = arith.subf %add3A_337, %mul3A_341 : vector<16xf32>
      tpu.vector_store_idx %arg10[%add3A_336], %sub3A_342 : memref<2560xf32, #tpu.memory_space<vmem>>[vector<16xi32>], vector<16xf32>,
    }
    %scan3A_136 = arith.constant 8 : i32
    "tpu.region"() ({
      %run_scoped3A = tpu.sem_alloc : memref<!tpu.dma_semaphore, #tpu.memory_space<semaphore_mem>>
      %dma_start3A_137 = tpu.memref_slice %arg4[%mul3A_2] : memref<81920xf32, #tpu.memory_space<hbm>> -> memref<2560xf32, #tpu.memory_space<hbm>>
      %dma_start3A_138 = tpu.memref_slice %arg4[%mul3A_2] : memref<81920xf32, #tpu.memory_space<hbm>> -> memref<2560xf32, #tpu.memory_space<hbm>>
      tpu.enqueue_dma source(%arg10 : memref<2560xf32, #tpu.memory_space<vmem>>) target(%dma_start3A_138 : memref<2560xf32, #tpu.memory_space<hbm>>) target_semaphore(%run_scoped3A : memref<!tpu.dma_semaphore, #tpu.memory_space<semaphore_mem>>)
      %dma_wait3A_139 = tpu.memref_slice %arg4[%mul3A_2] : memref<81920xf32, #tpu.memory_space<hbm>> -> memref<2560xf32, #tpu.memory_space<hbm>>
      %dma_wait3A_140 = tpu.memref_slice %arg4[%mul3A_2] : memref<81920xf32, #tpu.memory_space<hbm>> -> memref<2560xf32, #tpu.memory_space<hbm>>
      tpu.wait_dma2 semaphore(%run_scoped3A : memref<!tpu.dma_semaphore, #tpu.memory_space<semaphore_mem>>) src(%arg10 : memref<2560xf32, #tpu.memory_space<vmem>>) dst(%dma_wait3A_140 : memref<2560xf32, #tpu.memory_space<hbm>>)
      tpu.yield
    }) : () -> ()
    return
  }
}

</mosaic_0001>

<sc_bundles>
// kernel: kernel.3.cloned.1.call-start
scs
__scs_entry_jumppad:
0x0: {  	(pc) =	sbr.rel $0x88, $3  }
0x1: {  	(tag) =	ssettag $0x0;
	lr =	simm.s32 $0x1  }
0x2: {  	[smem:$0x3F9F] =	sst lr;
	_ =	strace $0xD0000000  }
0x3: {  	_ = 	snop  }
0x4: {  	_ = 	snop  }
0x5: {  	_ = 	snop  }
0x6: {  	_ = 	snop  }
0x7: {  	_ = 	snop  }
__scs_overlays_trampoline_lowered:
0x8: {  	[smem:$0x3FAE] =	sst s0  }
0x9: {  	[smem:$0x3FAF] =	sst s1  }
0xa: {  	[smem:$0x3FB0] =	sst s2  }
0xb: {  	[smem:$0x3FB1] =	sst s3  }
0xc: {  	[smem:$0x3FB2] =	sst s4  }
0xd: {  	[smem:$0x3FB3] =	sst s5  }
0xe: {  	[smem:$0x3FB4] =	sst s6  }
0xf: {  	[smem:$0x3FB5] =	sst s7  }
0x10: {  	[smem:$0x3FB6] =	sst s8  }
0x11: {  	[smem:$0x3FB7] =	sst s9;
	s0 =	simm.s32 @!p0 $0x0  }
0x12: {  	s1 =	sld [smem:$0x3F9D];
	s0 =	simm.s32 @p0 $0x1  }
0x13: {  	[smem:$0x3FB8] =	sst s0;
	s0 =	simm.s32 @!p1 $0x0  }
0x14: {  	s2 =	sld [smem:$0x3F9C];
	s0 =	simm.s32 @p1 $0x1  }
0x15: {  	[smem:$0x3FB9] =	sst s0;
	s0 =	simm.s32 @!p2 $0x0  }
0x16: {  	s3 =	sld [smem:$0x3FDB];
	s0 =	simm.s32 @p2 $0x1  }
0x17: {  	s4 =	simm.s32 $0x1BF5;
	[smem:$0x3FBB] =	sst s0  }
0x18: {  	s0 =	sld [smem:$0x3F9E];
	_ =	swait.ge [sflag:s4], $0x0  }
0x19: {  	s7 =	sld [smem:$0x3F9F]  }
0x1a: {  	s8 =	sadd.s32 $0xFFFFE003, lr  }
0x1b: {  	s9 =	sadd.s32 $0xFFFFFEF7, lr;
	s5 =	simm.s32 $0xFFFFFFFF;
	p2 =	slt.u32 s8, $0xFFFFF086  }
0x1c: {  	p1 =	slt.u32 s9, $0xF7A;
	s5 =	simm.s32 @!p2 $0x0  }
0x1d: {  	s5 =	simm.s32 @p1 $0x1;
	p0 =	seq.s32 s7, s2  }
0x1e: {  	s7 =	smul.u32 @!p0 $0xF7A, s2;
	p2 =	seq.s32 @!p0 s5, $0x0  }
0x1f: {  	s9 =	smul.u32 $0xF7A, s1;
	s8 =	simm.s32 @!p0 $0x1BF5;
	p2 =	por !p2, p0  }
0x20: {  	[sflag:s8] =	ssyncset.s32 @!p0 $0xFFFFF086;
	s6 =	sadd.s32 @!p0 s3, s7;
	s7 =	simm.s32 @!p0 $0x108  }
0x21: {  	s3 =	sadd.s32 s3, s9;
	s6 =	sadd.s32 @!p0 $0x88, s6;
	s7 =	simm.s32 @p2 $0x1082  }
0x22: {  	[simem:s7], [sflag:s8] =	dma.local @!p0 [hbm:s6], $0xF7A  }
0x23: {  	s9 =	sor.u32 $0xD0000000, s2;
	s6 =	simm.s32 $0x108;
	_ =	swait.ge @!p0 [sflag:s8], $0x0  }
0x24: {  	s3 =	sadd.s32 $0x88, s3;
	s6 =	simm.s32 @!p1 $0x1082;
	[sflag:s4] =	ssyncset.s32 $0xFFFFF086  }
0x25: {  	[simem:s6], [sflag:s4] =	dma.local [hbm:s3], $0xF7A  }
0x26: {  	[smem:$0x3F9F] =	sst s1;
	(tag) =	ssettag s2;
	_ =	strace s9  }
0x27: {  	s1 =	sld [smem:$0x3FAF]  }
0x28: {  	s2 =	sld [smem:$0x3FB0]  }
0x29: {  	s4 =	sld [smem:$0x3FB2]  }
0x2a: {  	p0 =	seq.s32 s5, $0x0;
	s5 =	sld [smem:$0x3FB3]  }
0x2b: {  	s6 =	sld [smem:$0x3FB4]  }
0x2c: {  	s7 =	sld [smem:$0x3FB5]  }
0x2d: {  	s3 =	simm.s32 $0x108;
	s8 =	sld [smem:$0x3FB6]  }
0x2e: {  	s3 =	simm.s32 @!p0 $0x1082;
	s9 =	sld [smem:$0x3FB7]  }
0x2f: {  	lr =	sadd.s32 s0, s3;
	s0 =	sld [smem:$0x3FAE]  }
0x30: {  	s3 =	sld [smem:$0x3FB1]  }
0x31: {  	[smem:$0x3FBA] =	sst s10  }
0x32: {  	s10 =	sld [smem:$0x3FB8];
	_ =	sdelay $0x3  }
0x33: {  	p0 =	seq.s32 s10, $0x1;
	s10 =	sld [smem:$0x3FBA];
	_ =	sdelay $0x3  }
0x34: {  	[smem:$0x3FBA] =	sst s10  }
0x35: {  	s10 =	sld [smem:$0x3FB9];
	_ =	sdelay $0x3  }
0x36: {  	p1 =	seq.s32 s10, $0x1;
	s10 =	sld [smem:$0x3FBA];
	_ =	sdelay $0x3  }
0x37: {  	[smem:$0x3FBA] =	sst s10  }
0x38: {  	s10 =	sld [smem:$0x3FBB]  }
0x39: {  	_ = 	snop;
	(pc) =	sbr.ind lr, $3  }
0x3a: {  	_ = 	snop  }
0x3b: {  	_ = 	snop  }
0x3c: {  	p2 =	seq.s32 s10, $0x1;
	s10 =	sld [smem:$0x3FBA]  }
0x3d: {  	_ =	shalt  }
0x3e: {  	_ =	shalt  }
0x3f: {  	_ =	shalt  }
0x40: {  	_ =	shalt  }
0x41: {  	_ =	shalt  }
0x42: {  	_ =	shalt  }
0x43: {  	_ =	shalt  }
0x44: {  	_ =	shalt  }
0x45: {  	_ =	shalt  }
0x46: {  	_ =	shalt  }
0x47: {  	_ =	shalt  }
0x48: {  	_ =	shalt  }
0x49: {  	_ =	shalt  }
0x4a: {  	_ =	shalt  }
0x4b: {  	_ =	shalt  }
0x4c: {  	_ =	shalt  }
0x4d: {  	_ =	shalt  }
0x4e: {  	_ =	shalt  }
0x4f: {  	_ =	shalt  }
0x50: {  	_ =	shalt  }
0x51: {  	_ =	shalt  }
0x52: {  	_ =	shalt  }
0x53: {  	_ =	shalt  }
0x54: {  	_ =	shalt  }
0x55: {  	_ =	shalt  }
0x56: {  	_ =	shalt  }
0x57: {  	_ =	shalt  }
0x58: {  	_ =	shalt  }
0x59: {  	_ =	shalt  }
0x5a: {  	_ =	shalt  }
0x5b: {  	_ =	shalt  }
0x5c: {  	_ =	shalt  }
0x5d: {  	_ =	shalt  }
0x5e: {  	_ =	shalt  }
0x5f: {  	_ =	shalt  }
0x60: {  	_ =	shalt  }
0x61: {  	_ =	shalt  }
0x62: {  	_ =	shalt  }
0x63: {  	_ =	shalt  }
0x64: {  	_ =	shalt  }
0x65: {  	_ =	shalt  }
0x66: {  	_ =	shalt  }
0x67: {  	_ =	shalt  }
0x68: {  	_ =	shalt  }
0x69: {  	_ =	shalt  }
0x6a: {  	_ =	shalt  }
0x6b: {  	_ =	shalt  }
0x6c: {  	_ =	shalt  }
0x6d: {  	_ =	shalt  }
0x6e: {  	_ =	shalt  }
0x6f: {  	_ =	shalt  }
0x70: {  	_ =	shalt  }
0x71: {  	_ =	shalt  }
0x72: {  	_ =	shalt  }
0x73: {  	_ =	shalt  }
0x74: {  	_ =	shalt  }
0x75: {  	_ =	shalt  }
0x76: {  	_ =	shalt  }
0x77: {  	_ =	shalt  }
0x78: {  	_ =	shalt  }
0x79: {  	_ =	shalt  }
0x7a: {  	_ =	shalt  }
0x7b: {  	_ =	shalt  }
0x7c: {  	_ =	shalt  }
0x7d: {  	_ =	shalt  }
0x7e: {  	_ =	shalt  }
0x7f: {  	_ =	shalt  }
0x80: {  	_ =	shalt  }
0x81: {  	_ =	shalt  }
0x82: {  	_ =	shalt  }
0x83: {  	_ =	shalt  }
0x84: {  	_ =	shalt  }
0x85: {  	_ =	shalt  }
0x86: {  	_ =	shalt  }
0x87: {  	_ =	shalt  }
.Lfunc_end0:
.L_simem_size_0:
called_computation_lowered:
.L_overlay_start_0:
0x88: {  	s2 =	sld [smem:$0x3FD9]  }
0x89: {  	s3 =	sld [smem:$0x3FFE];
	_ =	sdelay $0x1  }
0x8a: {  	s1 =	srdreg.scid  }
0x8b: {  	s0 =	sand.u32 $0x1, s1  }
0x8c: {  	s17 =	sshll.u32 s0, $0xA;
	s2 =	sadd.s32 s3, s2  }
0x8d: {  	s2 =	sadd.s32 s2, s17  }
0x8e: {  	[smem:$0x3FC6] =	sst s2  }
0x8f: {  	_ = 	snop  }
0x90: {  	s2 =	sld [smem:$0x3FC8]  }
0x91: {  	s18 =	sld [smem:$0x3FD0];
	(tm) =	ssettm $0x1  }
0x92: {  	s4 =	sld [smem:$0x3FFB];
	_ =	sdelay $0x3  }
0x93: {  	_ =	strace s4  }
0x94: {  	s4 =	sld [smem:$0x3FFC];
	_ =	sdelay $0x3  }
0x95: {  	_ =	strace s4  }
0x96: {  	s4 =	sld [smem:$0x3FFD];
	_ =	sdelay $0x3  }
0x97: {  	_ =	strace s4  }
0x98: {  	_ =	strace $0x8FFFFFFF  }
0x99: {  	s19 =	sld [smem:$0x3FDB];
	_ =	sdelay $0x1  }
0x9a: {  	s5 =	simm.s32 $_scs_section_size  }
0x9b: {  	s6 =	simm.s32 $_size__tile_overlayer_lowered;
	s7 =	simm.s32 $_tile_overlayer_lowered  }
0x9c: {  	s22 =	simm.s32 $0x1BFF;
	s21 =	sshll.u32 s7, $0x1;
	s4 =	sadd.s32 s5, s19  }
0x9d: {  	s8 =	simm.s32 $0x0;
	s20 =	sshll.u32 s6, $0x1;
	s6 =	sadd.s32 s21, s4  }
0x9e: {  	[timem:s8], [sflag:s22] =	dma.local [hbm:s6], s20  }
0x9f: {  	_ =	swait.ge [sflag:s22], s20  }
0xa0: {  	s5 =	ssub.s32 $0x0, s20;
	[sflag:s22] =	ssyncset.done $0x0  }
0xa1: {  	[sflag:s22] =	ssyncadd.s32 s5;
	_ =	sdelay $0x1  }
0xa2: {  	s23 =	simm.s32 $0x1B8B  }
0xa3: {  	_ =	swait.ge [sflag:s23], $0x1  }
0xa4: {  	[sflag:s23] =	ssyncset.done $0x0  }
0xa5: {  	s25 =	simm.s32 $0x1B8E;
	s24 =	sld [smem:$0x3FFE];
	[sflag:s23] =	ssyncadd.s32 $0xFFFFFFFF  }
0xa6: {  	s26 =	simm.s32 $execute0_lowered;
	[smem:$0x3FD2] =	sst s25  }
0xa7: {  	s6 =	sshll.u32 s26, $0x1;
	_ =	strace $0x80000046;
	[dreg:$0x1] =	wrdreg $0xFFFFFFFF  }
0xa8: {  	s28 =	simm.s32 $_size_execute0_lowered;
	s4 =	sadd.s32 s4, s6;
	[dreg:$0x0] =	wrdreg $0x0  }
0xa9: {  	s6 =	sshll.u32 s28, $0x1;
	[dreg:$0x2] =	wrdreg s4  }
0xaa: {  	[dreg:$0x3] =	wrdreg s6  }
0xab: {  	[dreg:$0x4] =	wrdreg $0xC0  }
0xac: {  	_ =	task [dreg:s8], $0x5FFFF  }
0xad: {  	[dreg:$0x1] =	wrdreg $0xFFFFFFFF  }
0xae: {  	[dreg:$0x0] =	wrdreg $0x60  }
0xaf: {  	[dreg:$0x2] =	wrdreg s18  }
0xb0: {  	[dreg:$0x3] =	wrdreg s2  }
0xb1: {  	[dreg:$0x4] =	wrdreg s24  }
0xb2: {  	[dreg:$0x5] =	wrdreg $0x25000  }
0xb3: {  	[dreg:$0x6] =	wrdreg $0x9  }
0xb4: {  	_ =	task.clear_ibuf [dreg:s8], $0x7FFFF;
	_ =	strace $0x90000046  }
0xb5: {  	s29 =	simm.s32 $0x9;
	_ =	strace $0x80000048  }
0xb6: {  	_ =	swait.ge [sflag:s29], $0x1  }
0xb7: {  	[sflag:s29] =	ssyncadd.s32 $0xFFFFFFFF  }
0xb8: {  	_ =	strace $0x90000048  }
0xb9: {  	_ =	sfence  }
0xba: {  	s30 =	sld [smem:$0x0];
	_ =	sdelay $0x2  }
0xbb: {  	s31 =	sshll.u32 s1, $0xD;
	s1 =	sshrl.u32 s1, $0x2  }
0xbc: {  	s3 =	sand.u32 $0x4000, s31;
	s1 =	sadd.s32 s1, s30  }
0xbd: {  	s0 =	sor.u32 s3, s0;
	s1 =	sshll.u32 s1, $0x11  }
0xbe: {  	s0 =	sor.u32 s1, s0  }
0xbf: {  	s0 =	sadd.s32 $0x8F2B, s0  }
0xc0: {  	[sflag:s0] =	ssyncadd.remote.s32 $0x1  }
0xc1: {  	_ =	sfence.sel $0xFFFF  }
0xc2: {  	[dreg:$0x0] =	wrdreg $0xFFFFFFFF;
	(pc) =	sbr.abs _section_cstart, $3  }
0xc3: {  	[dreg:$0x1] =	wrdreg $0xFFFFFFFF  }
0xc4: {  	_ =	task.clear_ibuf [dreg:s8], $0x2FFFF;
	_ =	strace $0x9FFFFFFF  }
0xc5: {  	(tm) =	ssettm $0x7FFFFFFF  }
tec
execute0_lowered:
.L_overlay_start_1:
0x0: {  	(tag) =	ssettag $0x1  }
0x1: {  	s0 =	rddreg [dreg:$0x0]  }
0x2: {  	s2 =	rddreg [dreg:$0x1]  }
0x3: {  	s1 =	rddreg [dreg:$0x2]  }
0x4: {  	s3 =	rddreg [dreg:$0x3]  }
0x5: {  	s4 =	srdreg.scid;
	s10 =	stileid.u32;
	s12 =	simm.s32 $0x4  }
0x6: {  	s13 =	simm.s32 $0x80;
	s22 =	simm.s32 $0xC80;
	s24 =	simm.s32 $0xD00  }
0x7: {  	s25 =	simm.s32 $0x1100;
	s26 =	simm.s32 $0xD80;
	s28 =	simm.s32 $0x1180  }
0x8: {  	v0 =	vlaneseq.u32;
	s29 =	simm.s32 $0xE00;
	s30 =	simm.s32 $0x1200;
	s31 =	simm.s32 $0x1  }
0x9: {  	s14 =	simm.s32 $0x0;
	s5 =	sand.u32 $0x1, s4;
	s6 =	sshll.u32 s10, $0x1;
	v0 =	vmul.u32 $0x14, v0  }
0xa: {  	s4 =	simm.s32 $0x0;
	s7 =	smul.u32 $0x1FE00, s10;
	p0 =	sgt.u32 s10, $0x3  }
0xb: {  	vm0 =	vmmov $0xffff;
	s6 =	sor.u32 s5, s6;
	[smem:$0x7FF] =	sst s4;
	s5 =	ssub.s32 $0x2, s5;
	v1 =	vadd.s32 $0x13, v0  }
0xc: {  	s6 =	smul.u32 $0x140, s6;
	_ =	strace $0x80000047;
	s8 =	sshrl.u32 s7, $0x3;
	v2 =	vadd.s32 $0x12, v0;
	v3 =	vadd.s32 $0x11, v0;
	v4 =	vadd.s32 $0x10, v0  }
0xd: {  	s9 =	sshrl.u32 s5, $0x1;
	s11 =	sadd.s32 s7, s3;
	v5 =	vadd.s32 $0xF, v0;
	v6 =	vadd.s32 $0xE, v0;
	v7 =	vadd.s32 $0xD, v0;
	s8 =	sadd.s32 s2, s8  }
0xe: {  	v8 =	vadd.s32 $0xC, v0;
	v9 =	vadd.s32 $0xB, v0;
	v10 =	vadd.s32 $0xA, v0;
	s9 =	ssub.s32 s5, s9;
	s11 =	sshrl.u32 @!p0 s11, $0x3;
	s1 =	sadd.s32 s6, s1  }
0xf: {  	v11 =	vadd.s32 $0x9, v0;
	v12 =	vadd.s32 $0x8, v0;
	v13 =	vadd.s32 $0x7, v0;
	s5 =	sadd.s32 $0x100, s8;
	s6 =	sadd.s32 s0, s6;
	s8 =	smax.u32 s9, $0x1  }
0x10: {  	v14 =	vadd.s32 $0x6, v0;
	v15 =	vadd.s32 $0x5, v0;
	v16 =	vadd.s32 $0x4, v0;
	s9 =	simm.s32 $0x1300;
	s0 =	sshll.u32 @!p0 s10, $0x6;
	s7 =	sadd.s32 $0x400, s1  }
0x11: {  	v17 =	vor.u32 $0x3, v0;
	v18 =	vor.u32 $0x2, v0;
	v19 =	vor.u32 $0x1, v0;
	s10 =	sor.u32 @!p0 $0x1C02, s0;
	s0 =	simm.s32 $0x1B00;
	s1 =	simm.s32 $0x3  }
.LBB2_1:
0x12: {  	v20 =	vmov s4  }
0x13: {  	v20 =	vmul.u32 $0x14, v20;
	_ =	sdelay $0x1  }
0x14: {  	v20 =	vbroadcast v20, $0x0  }
0x15: {  	[tilespmem:s9], [sflag:$0x1] =	stream.linear.gather [hbm4b:s2+s4], $0x800, $0x38;
	[tilespmem:$0xA480] =	vst v63  }
0x16: {  	[spmem:s11], [sflag:s10] =	dma.local @!p0 [hbm:s5], $0x3FC0;
	v21 =	vadd.s32 v1, v20  }
0x17: {  	[tilespmem:s4], [sflag:$0x4] =	stream.linear.gather [hbm4b:s6+s4], $0xA00, $0x38;
	v22 =	vadd.s32 v2, v20;
	[tilespmem:$0xA480] =	vst v63  }
0x18: {  	_ =	swait.ge [sflag:s12], $0xA00;
	v23 =	vadd.s32 v3, v20  }
0x19: {  	[sflag:s12] =	ssyncset.done $0x0;
	v24 =	vadd.s32 v4, v20  }
0x1a: {  	[sflag:s12] =	ssyncadd.s32 $0xFFFFF600;
	v25 =	vadd.s32 v5, v20  }
0x1b: {  	v26 =	vadd.s32 v6, v20;
	v21 =	vld.idx.msk [tilespmem:v21+s4+$0x0], $0xffff  }
0x1c: {  	v27 =	vadd.s32 v7, v20;
	v22 =	vld.idx.msk [tilespmem:v22+s4+$0x0], $0xffff  }
0x1d: {  	v28 =	vadd.s32 v8, v20;
	v23 =	vld.idx.msk [tilespmem:v23+s4+$0x0], $0xffff  }
0x1e: {  	v29 =	vadd.s32 v9, v20;
	v24 =	vld.idx.msk [tilespmem:v24+s4+$0x0], $0xffff  }
0x1f: {  	v30 =	vadd.s32 v10, v20;
	v25 =	vld.idx.msk [tilespmem:v25+s4+$0x0], $0xffff  }
0x20: {  	v31 =	vadd.s32 v11, v20;
	v26 =	vld.idx.msk [tilespmem:v26+s4+$0x0], $0xffff  }
0x21: {  	v32 =	vadd.s32 v12, v20;
	v27 =	vld.idx.msk [tilespmem:v27+s4+$0x0], $0xffff;
	v22 =	vshll.u32 v22, $0x1  }
0x22: {  	v33 =	vadd.s32 v13, v20;
	v28 =	vld.idx.msk [tilespmem:v28+s4+$0x0], $0xffff;
	v21 =	vadd.s32 v21, v22;
	v22 =	vshll.u32 v23, $0x2  }
0x23: {  	v29 =	vld.idx.msk [tilespmem:v29+s4+$0x0], $0xffff;
	v23 =	vadd.s32 v14, v20;
	v21 =	vadd.s32 v22, v21;
	v22 =	vshll.u32 v24, $0x3  }
0x24: {  	v30 =	vld.idx.msk [tilespmem:v30+s4+$0x0], $0xffff;
	v24 =	vadd.s32 v15, v20;
	v21 =	vadd.s32 v22, v21;
	v22 =	vshll.u32 v25, $0x4  }
0x25: {  	v31 =	vld.idx.msk [tilespmem:v31+s4+$0x0], $0xffff;
	v25 =	vadd.s32 v16, v20;
	v21 =	vadd.s32 v22, v21;
	v22 =	vshll.u32 v26, $0x5  }
0x26: {  	v32 =	vld.idx.msk [tilespmem:v32+s4+$0x0], $0xffff;
	v26 =	vadd.s32 v17, v20;
	v21 =	vadd.s32 v22, v21;
	v22 =	vshll.u32 v27, $0x6  }
0x27: {  	v33 =	vld.idx.msk [tilespmem:v33+s4+$0x0], $0xffff;
	v27 =	vadd.s32 v18, v20;
	v21 =	vadd.s32 v22, v21;
	v22 =	vshll.u32 v28, $0x7  }
0x28: {  	v58 =	vadd.s32 v19, v20;
	v23 =	vld.idx.msk [tilespmem:v23+s4+$0x0], $0xffff;
	v21 =	vadd.s32 v22, v21;
	v22 =	vshll.u32 v29, $0x8  }
0x29: {  	v59 =	vadd.s32 v0, v20;
	v24 =	vld.idx.msk [tilespmem:v24+s4+$0x0], $0xffff;
	v20 =	vadd.s32 v22, v21;
	v21 =	vshll.u32 v30, $0x9  }
0x2a: {  	v22 =	vld.idx.msk [tilespmem:v25+s4+$0x0], $0xffff;
	v20 =	vadd.s32 v21, v20;
	v21 =	vshll.u32 v31, $0xA  }
0x2b: {  	v25 =	vld.idx.msk [tilespmem:v26+s4+$0x0], $0xffff;
	v20 =	vadd.s32 v21, v20;
	v21 =	vshll.u32 v32, $0xB  }
0x2c: {  	v26 =	vld.idx.msk [tilespmem:v27+s4+$0x0], $0xffff;
	v27 =	vshll.u32 v33, $0xC;
	v21 =	vadd.s32 v21, v20  }
0x2d: {  	v28 =	vld.idx.msk [tilespmem:v58+s4+$0x0], $0xffff;
	v23 =	vshll.u32 v23, $0xD;
	v27 =	vadd.s32 v27, v21  }
0x2e: {  	v29 =	vld.idx.msk [tilespmem:v59+s4+$0x0], $0xffff;
	v24 =	vshll.u32 v24, $0xE;
	v23 =	vadd.s32 v23, v27  }
0x2f: {  	v22 =	vshll.u32 v22, $0xF;
	v24 =	vadd.s32 v24, v23  }
0x30: {  	v25 =	vshll.u32 v25, $0x10;
	v60 =	vadd.s32 v22, v24  }
0x31: {  	v22 =	vand.u32 $0xFFF, v21;
	v21 =	vadd.s32 v25, v60;
	v25 =	vshll.u32 v26, $0x11  }
0x32: {  	v26 =	vand.u32 $0x1FFF, v27;
	v27 =	vshll.u32 v28, $0x12;
	v25 =	vadd.s32 v25, v21  }
0x33: {  	s15 =	simm.s32 $0x10;
	v61 =	vand.u32 $0x3FFF, v23;
	v23 =	vadd.s32 v27, v25;
	v27 =	vshll.u32 v29, $0x13  }
0x34: {  	s17 =	simm.s32 $0xA00;
	v63 =	vmov s15;
	v25 =	vand.u32 $0x3FFFF, v25;
	v27 =	vadd.s32 v27, v23  }
0x35: {  	v62 =	vand.u32 $0xFFFF, v60;
	v21 =	vand.u32 $0x1FFFF, v21;
	v25 =	vadd.s32 $0x3F800, v25;
	[tilespmem:s17+$0x0] =	vst v27  }
0x36: {  	v21 =	vadd.s32 $0x1F800, v21;
	v23 =	vand.u32 $0x7FFFF, v23;
	v27 =	vmul.u32 $0x14, v63;
	[tilespmem:s22+$0x180] =	vst v25  }
0x37: {  	s20 =	simm.s32 $0x20;
	s16 =	simm.s32 $0xC90;
	v24 =	vand.u32 $0x7FFF, v24;
	v29 =	vadd.s32 $0xF800, v62;
	v23 =	vor.u32 $0x80000, v23;
	[tilespmem:s22+$0x100] =	vst v21  }
0x38: {  	s18 =	simm.s32 $0xC80;
	s19 =	simm.s32 $0x1280;
	s15 =	simm.s32 $0x1280;
	v25 =	vadd.s32 $0x1800, v26;
	v26 =	vadd.s32 $0x3800, v61;
	[tilespmem:s22+$0x80] =	vst v29;
	v21 =	vbroadcast v27, $0x0  }
.LBB2_2:
0x39: {  	v20 =	vand.u32 $0x7FF, v20;
	s17 =	sadd.s32 $0x10, s17  }
0x3a: {  	v22 =	vadd.s32 $0x800, v22;
	[tilespmem:s18+$0xFFFFFF80] =	vst v26;
	v24 =	vadd.s32 $0x7800, v24;
	s15 =	sadd.s32 $0x10, s15;
	s21 =	smov.u32 s20;
	s23 =	sadd.s32 $0x10, s20;
	v26 =	vadd.s32 v1, v21  }
0x3b: {  	p1 =	sne.s32 s20, $0x70;
	v27 =	vadd.s32 v2, v21;
	v28 =	vadd.s32 v3, v21;
	[tilespmem:s18+$0xFFFFFF00] =	vst v25;
	v25 =	vadd.s32 v4, v21  }
0x3c: {  	v29 =	vadd.s32 v5, v21;
	v30 =	vadd.s32 v6, v21;
	v31 =	vadd.s32 v8, v21;
	[tilespmem:s18+$0xFFFFFE80] =	vst v22  }
0x3d: {  	v32 =	vadd.s32 v9, v21;
	v33 =	vadd.s32 v11, v21;
	v22 =	vadd.s32 v7, v21;
	[tilespmem:s18+$0xFFFFFE00] =	vst v20  }
0x3e: {  	v34 =	vadd.s32 v12, v21;
	v35 =	vadd.s32 v14, v21;
	v20 =	vadd.s32 v10, v21;
	[tilespmem:s18+$0x0] =	vst v24;
	s18 =	smov.u32 s16  }
0x3f: {  	v36 =	vadd.s32 v15, v21;
	v24 =	vadd.s32 v13, v21;
	[tilespmem:s19], [sflag:$0x3] =	stream.indirect_vreg.gather [hbm4b:s2+s4], $0x1, v23, vm0, $0xb8;
	[tilespmem:$0xA480] =	vst v63  }
0x40: {  	v37 =	vadd.s32 v17, v21;
	v38 =	vadd.s32 v18, v21;
	s19 =	smov.u32 s15;
	v23 =	vld.idx.msk [tilespmem:v26+s4+$0x0], $0xffff;
	v26 =	vadd.s32 v16, v21  }
0x41: {  	v39 =	vadd.s32 v0, v21;
	v21 =	vadd.s32 v19, v21;
	v27 =	vld.idx.msk [tilespmem:v27+s4+$0x0], $0xffff  }
0x42: {  	v28 =	vld.idx.msk [tilespmem:v28+s4+$0x0], $0xffff  }
0x43: {  	v25 =	vld.idx.msk [tilespmem:v25+s4+$0x0], $0xffff  }
0x44: {  	v29 =	vld.idx.msk [tilespmem:v29+s4+$0x0], $0xffff  }
0x45: {  	v30 =	vld.idx.msk [tilespmem:v30+s4+$0x0], $0xffff  }
0x46: {  	v22 =	vld.idx.msk [tilespmem:v22+s4+$0x0], $0xffff  }
0x47: {  	v27 =	vshll.u32 v27, $0x1;
	v31 =	vld.idx.msk [tilespmem:v31+s4+$0x0], $0xffff  }
0x48: {  	v23 =	vadd.s32 v23, v27;
	v27 =	vshll.u32 v28, $0x2;
	v28 =	vld.idx.msk [tilespmem:v32+s4+$0x0], $0xffff  }
0x49: {  	v23 =	vadd.s32 v27, v23;
	v25 =	vshll.u32 v25, $0x3;
	v20 =	vld.idx.msk [tilespmem:v20+s4+$0x0], $0xffff  }
0x4a: {  	v23 =	vadd.s32 v25, v23;
	v25 =	vshll.u32 v29, $0x4;
	v27 =	vld.idx.msk [tilespmem:v33+s4+$0x0], $0xffff  }
0x4b: {  	v23 =	vadd.s32 v25, v23;
	v25 =	vshll.u32 v30, $0x5;
	v29 =	vld.idx.msk [tilespmem:v34+s4+$0x0], $0xffff  }
0x4c: {  	v23 =	vadd.s32 v25, v23;
	v22 =	vshll.u32 v22, $0x6;
	v24 =	vld.idx.msk [tilespmem:v24+s4+$0x0], $0xffff  }
0x4d: {  	v22 =	vadd.s32 v22, v23;
	v23 =	vshll.u32 v31, $0x7;
	v25 =	vld.idx.msk [tilespmem:v35+s4+$0x0], $0xffff  }
0x4e: {  	v22 =	vadd.s32 v23, v22;
	v23 =	vshll.u32 v28, $0x8;
	v28 =	vld.idx.msk [tilespmem:v36+s4+$0x0], $0xffff  }
0x4f: {  	v22 =	vadd.s32 v23, v22;
	v20 =	vshll.u32 v20, $0x9;
	v23 =	vld.idx.msk [tilespmem:v26+s4+$0x0], $0xffff  }
0x50: {  	v20 =	vadd.s32 v20, v22;
	v22 =	vshll.u32 v27, $0xA;
	v26 =	vld.idx.msk [tilespmem:v37+s4+$0x0], $0xffff  }
0x51: {  	v20 =	vadd.s32 v22, v20;
	v22 =	vshll.u32 v29, $0xB;
	v27 =	vld.idx.msk [tilespmem:v38+s4+$0x0], $0xffff  }
0x52: {  	v22 =	vadd.s32 v22, v20;
	v24 =	vshll.u32 v24, $0xC;
	v21 =	vld.idx.msk [tilespmem:v21+s4+$0x0], $0xffff  }
0x53: {  	v24 =	vadd.s32 v24, v22;
	v25 =	vshll.u32 v25, $0xD;
	v22 =	vand.u32 $0xFFF, v22;
	v29 =	vld.idx.msk [tilespmem:v39+s4+$0x0], $0xffff  }
0x54: {  	v25 =	vadd.s32 v25, v24;
	v28 =	vshll.u32 v28, $0xE;
	v30 =	vand.u32 $0x1FFF, v24  }
0x55: {  	v24 =	vadd.s32 v28, v25;
	v23 =	vshll.u32 v23, $0xF;
	v28 =	vand.u32 $0x3FFF, v25  }
0x56: {  	v23 =	vadd.s32 v23, v24;
	v25 =	vshll.u32 v26, $0x10;
	v24 =	vand.u32 $0x7FFF, v24  }
0x57: {  	v25 =	vadd.s32 v25, v23;
	v26 =	vshll.u32 v27, $0x11;
	v23 =	vand.u32 $0xFFFF, v23  }
0x58: {  	v26 =	vadd.s32 v26, v25;
	v21 =	vshll.u32 v21, $0x12;
	v27 =	vand.u32 $0x1FFFF, v25  }
0x59: {  	v21 =	vadd.s32 v21, v26;
	v25 =	vshll.u32 v29, $0x13;
	v26 =	vand.u32 $0x3FFFF, v26  }
.Ltmp0:
0x5a: {  	v25 =	vadd.s32 v25, v21;
	v26 =	vadd.s32 $0x3F800, v26;
	v21 =	vand.u32 $0x7FFFF, v21;
	(pc) =	sbr.rel @p1 .LBB2_2-.Ltmp0, $4  }
0x5b: {  	v31 =	vadd.s32 $0xF800, v23;
	v29 =	vmov s21;
	v23 =	vor.u32 $0x80000, v21;
	[tilespmem:s17+$0x0] =	vst v25  }
0x5c: {  	v27 =	vadd.s32 $0x1F800, v27;
	v21 =	vmul.u32 $0x14, v29;
	v25 =	vadd.s32 $0x1800, v30;
	[tilespmem:s16+$0x180] =	vst v26  }
0x5d: {  	[tilespmem:s16+$0x100] =	vst v27  }
0x5e: {  	s20 =	smov.u32 s23;
	v21 =	vbroadcast v21, $0x0;
	v26 =	vadd.s32 $0x3800, v28;
	s16 =	sadd.s32 $0x10, s16;
	[tilespmem:s18+$0x80] =	vst v31  }
0x5f: {  	[tilespmem:s18+$0xFFFFFF80] =	vst v26  }
0x60: {  	v22 =	vadd.s32 $0x800, v22;
	[tilespmem:s18+$0xFFFFFF00] =	vst v25;
	v49 =	vadd.s32 v1, v21  }
0x61: {  	v20 =	vand.u32 $0x7FF, v20;
	v50 =	vadd.s32 v2, v21;
	[tilespmem:s18+$0xFFFFFE80] =	vst v22  }
0x62: {  	v22 =	vadd.s32 $0x7800, v24;
	v51 =	vadd.s32 v3, v21;
	[tilespmem:s18+$0xFFFFFE00] =	vst v20  }
0x63: {  	v20 =	vadd.s32 v4, v21;
	[tilespmem:s18+$0x0] =	vst v22  }
0x64: {  	v22 =	vadd.s32 v5, v21;
	[tilespmem:s19], [sflag:$0x3] =	stream.indirect_vreg.gather [hbm4b:s2+s4], $0x1, v23, vm0, $0xb8;
	[tilespmem:$0xA480] =	vst v63  }
0x65: {  	v23 =	vadd.s32 v6, v21;
	v26 =	vld.idx.msk [tilespmem:v49+s4+$0x0], $0xffff  }
0x66: {  	v27 =	vadd.s32 v7, v21;
	v25 =	vld.idx.msk [tilespmem:v50+s4+$0x0], $0xffff  }
0x67: {  	v28 =	vadd.s32 v8, v21;
	v24 =	vld.idx.msk [tilespmem:v51+s4+$0x0], $0xffff  }
0x68: {  	v29 =	vadd.s32 v9, v21;
	v20 =	vld.idx.msk [tilespmem:v20+s4+$0x0], $0xffff  }
0x69: {  	v30 =	vadd.s32 v10, v21;
	v22 =	vld.idx.msk [tilespmem:v22+s4+$0x0], $0xffff  }
0x6a: {  	v31 =	vadd.s32 v11, v21;
	v23 =	vld.idx.msk [tilespmem:v23+s4+$0x0], $0xffff  }
0x6b: {  	v32 =	vadd.s32 v12, v21;
	v27 =	vld.idx.msk [tilespmem:v27+s4+$0x0], $0xffff;
	v25 =	vshll.u32 v25, $0x1  }
0x6c: {  	v33 =	vadd.s32 v13, v21;
	v28 =	vld.idx.msk [tilespmem:v28+s4+$0x0], $0xffff;
	v24 =	vshll.u32 v24, $0x2;
	v25 =	vadd.s32 v26, v25  }
0x6d: {  	v52 =	vadd.s32 v14, v21;
	v29 =	vld.idx.msk [tilespmem:v29+s4+$0x0], $0xffff;
	v20 =	vshll.u32 v20, $0x3;
	v24 =	vadd.s32 v24, v25  }
0x6e: {  	v53 =	vadd.s32 v15, v21;
	v30 =	vld.idx.msk [tilespmem:v30+s4+$0x0], $0xffff;
	v22 =	vshll.u32 v22, $0x4;
	v20 =	vadd.s32 v20, v24  }
0x6f: {  	v54 =	vadd.s32 v16, v21;
	v31 =	vld.idx.msk [tilespmem:v31+s4+$0x0], $0xffff;
	v20 =	vadd.s32 v22, v20;
	v22 =	vshll.u32 v23, $0x5  }
0x70: {  	v32 =	vld.idx.msk [tilespmem:v32+s4+$0x0], $0xffff;
	v23 =	vadd.s32 v17, v21;
	v20 =	vadd.s32 v22, v20;
	v22 =	vshll.u32 v27, $0x6  }
0x71: {  	v55 =	vadd.s32 v18, v21;
	v33 =	vld.idx.msk [tilespmem:v33+s4+$0x0], $0xffff;
	v20 =	vadd.s32 v22, v20;
	v22 =	vshll.u32 v28, $0x7  }
0x72: {  	v56 =	vadd.s32 v19, v21;
	v26 =	vld.idx.msk [tilespmem:v52+s4+$0x0], $0xffff;
	v20 =	vadd.s32 v22, v20;
	v22 =	vshll.u32 v29, $0x8  }
0x73: {  	v25 =	vld.idx.msk [tilespmem:v53+s4+$0x0], $0xffff;
	v21 =	vadd.s32 v0, v21;
	v20 =	vadd.s32 v22, v20;
	v22 =	vshll.u32 v30, $0x9  }
0x74: {  	v24 =	vld.idx.msk [tilespmem:v54+s4+$0x0], $0xffff;
	v20 =	vadd.s32 v22, v20;
	v22 =	vshll.u32 v31, $0xA  }
0x75: {  	v23 =	vld.idx.msk [tilespmem:v23+s4+$0x0], $0xffff;
	v20 =	vadd.s32 v22, v20;
	v22 =	vshll.u32 v32, $0xB  }
0x76: {  	v57 =	vshll.u32 v33, $0xC;
	v27 =	vld.idx.msk [tilespmem:v55+s4+$0x0], $0xffff;
	v22 =	vadd.s32 v22, v20  }
0x77: {  	v28 =	vld.idx.msk [tilespmem:v56+s4+$0x0], $0xffff;
	v26 =	vshll.u32 v26, $0xD;
	v29 =	vadd.s32 v57, v22  }
0x78: {  	v25 =	vshll.u32 v25, $0xE;
	v21 =	vld.idx.msk [tilespmem:v21+s4+$0x0], $0xffff;
	v26 =	vadd.s32 v26, v29  }
0x79: {  	v24 =	vshll.u32 v24, $0xF;
	v25 =	vadd.s32 v25, v26  }
0x7a: {  	v23 =	vshll.u32 v23, $0x10;
	v24 =	vadd.s32 v24, v25  }
0x7b: {  	v27 =	vshll.u32 v27, $0x11;
	v23 =	vadd.s32 v23, v24  }
0x7c: {  	v28 =	vshll.u32 v28, $0x12;
	v27 =	vadd.s32 v27, v23  }
0x7d: {  	v21 =	vshll.u32 v21, $0x13;
	v28 =	vadd.s32 v28, v27  }
0x7e: {  	s17 =	sadd.s32 $0x10, s17;
	v27 =	vand.u32 $0x3FFFF, v27;
	v21 =	vadd.s32 v21, v28  }
0x7f: {  	v24 =	vand.u32 $0xFFFF, v24;
	[tilespmem:s17+$0x0] =	vst v21;
	v21 =	vand.u32 $0x1FFFF, v23;
	v23 =	vadd.s32 $0x3F800, v27  }
0x80: {  	v22 =	vand.u32 $0xFFF, v22;
	v24 =	vadd.s32 $0xF800, v24;
	[tilespmem:s16+$0x180] =	vst v23  }
0x81: {  	v22 =	vadd.s32 $0x800, v22;
	[tilespmem:s16+$0x80] =	vst v24  }
0x82: {  	v58 =	vand.u32 $0x7FFFF, v28;
	v21 =	vadd.s32 $0x1F800, v21;
	[tilespmem:s16+$0xFFFFFE80] =	vst v22  }
0x83: {  	v20 =	vand.u32 $0x7FF, v20;
	v59 =	vor.u32 $0x80000, v58;
	[tilespmem:s16+$0x100] =	vst v21;
	v21 =	vand.u32 $0x1FFF, v29  }
0x84: {  	v23 =	vand.u32 $0x3FFF, v26;
	[tilespmem:s16+$0xFFFFFE00] =	vst v20;
	v21 =	vadd.s32 $0x1800, v21  }
0x85: {  	v23 =	vadd.s32 $0x3800, v23;
	[tilespmem:s16+$0xFFFFFF00] =	vst v21;
	v21 =	vand.u32 $0x7FFF, v25  }
0x86: {  	[tilespmem:s16+$0xFFFFFF80] =	vst v23;
	v21 =	vadd.s32 $0x7800, v21  }
0x87: {  	s15 =	sadd.s32 $0x10, s15;
	[tilespmem:s16+$0x0] =	vst v21  }
0x88: {  	[tilespmem:s15], [sflag:$0x3] =	stream.indirect_vreg.gather [hbm4b:s2+s4], $0x1, v59, vm0, $0xb8;
	[tilespmem:$0xA480] =	vst v63  }
0x89: {  	s15 =	simm.s32 @!p0 $0x2  }
0x8a: {  	_ =	swait.ge @!p0 [sflag:s15], $0x3FC0  }
0x8b: {  	[sflag:s15] =	ssyncset.done @!p0 $0x0  }
0x8c: {  	[sflag:s15] =	ssyncadd.s32 @!p0 $0xFFFFC040  }
0x8d: {  	s20 =	simm.s32 $0xE80;
	s19 =	simm.s32 $0xA80;
	[bflag:$0x0] =	sbarrier.arrive $0xFFFF  }
0x8e: {  	[tilespmem:s20], [sflag:$0x3] =	stream.indirect.gather [spmem:s3], $0x1, s19, s13, $0xb8;
	[tilespmem:$0xA480] =	vst v63  }
0x8f: {  	s21 =	simm.s32 $0xB00;
	s23 =	simm.s32 $0xF00  }
0x90: {  	[tilespmem:s23], [sflag:$0x3] =	stream.indirect.gather [spmem:s3], $0x1, s21, s13, $0xb8;
	[tilespmem:$0xA480] =	vst v63  }
0x91: {  	s18 =	simm.s32 $0xF80;
	s17 =	simm.s32 $0xB80  }
0x92: {  	[tilespmem:s18], [sflag:$0x3] =	stream.indirect.gather [spmem:s3], $0x1, s17, s13, $0xb8;
	[tilespmem:$0xA480] =	vst v63  }
0x93: {  	s19 =	simm.s32 $0xC00;
	s20 =	simm.s32 $0x1000  }
0x94: {  	[tilespmem:s20], [sflag:$0x3] =	stream.indirect.gather [spmem:s3], $0x1, s19, s13, $0xb8;
	[tilespmem:$0xA480] =	vst v63  }
0x95: {  	s21 =	simm.s32 $0x1080  }
0x96: {  	[tilespmem:s21], [sflag:$0x3] =	stream.indirect.gather [spmem:s3], $0x1, s22, s13, $0xb8;
	[tilespmem:$0xA480] =	vst v63  }
0x97: {  	_ = 	snop  }
0x98: {  	[tilespmem:s25], [sflag:$0x3] =	stream.indirect.gather [spmem:s3], $0x1, s24, s13, $0xb8;
	[tilespmem:$0xA480] =	vst v63  }
0x99: {  	_ = 	snop  }
0x9a: {  	[tilespmem:s28], [sflag:$0x3] =	stream.indirect.gather [spmem:s3], $0x1, s26, s13, $0xb8;
	[tilespmem:$0xA480] =	vst v63  }
0x9b: {  	_ = 	snop  }
0x9c: {  	[tilespmem:s30], [sflag:$0x3] =	stream.indirect.gather [spmem:s3], $0x1, s29, s13, $0xb8;
	[tilespmem:$0xA480] =	vst v63  }
0x9d: {  	_ =	swait.ge [sflag:s31], $0x800  }
0x9e: {  	[sflag:s31] =	ssyncset.done $0x0  }
0x9f: {  	s15 =	simm.s32 $0xA00;
	[sflag:s31] =	ssyncadd.s32 $0xFFFFF800  }
0xa0: {  	v20 =	vld [tilespmem:s15+$0x0];
	_ =	sdelay $0x4  }
0xa1: {  	v21 =	vshra.s32 v20, $0x14;
	_ =	sdelay $0x2  }
0xa2: {  	s23 =	simm.s32 $0x0  }
0xa3: {  	v22 =	vmov s23  }
0xa4: {  	v22 =	vmul.u32 $0x14, v22;
	v23 =	vand.u32 $0x1, v20;
	v21 =	vld.idx.msk [tilespmem:v21+s9+$0x0], $0xffff  }
0xa5: {  	v60 =	vcvt.s32.f32 v23  }
0xa6: {  	v22 =	vbroadcast v22, $0x0  }
0xa7: {  	v61 =	vadd.f32 v60, v60  }
0xa8: {  	v62 =	vadd.s32 v1, v22  }
0xa9: {  	v23 =	vor.u32 $0x2, v23;
	v24 =	vadd.f32 v60, v21;
	v21 =	vmul.f32 v61, v21;
	_ =	sdelay $0x1  }
0xaa: {  	v21 =	vsub.f32 v24, v21;
	_ =	sdelay $0x1  }
0xab: {  	v63 =	vshrl.u32 v20, $0x1;
	[tilespmem:v62+s0+$0x0] =	vst.idx.msk $0xffff, v21  }
0xac: {  	v21 =	vand.u32 $0x1, v63;
	v23 =	vld.idx.msk [tilespmem:v23+s9+$0x0], $0xffff  }
0xad: {  	v21 =	vcvt.s32.f32 v21;
	_ =	sdelay $0x1  }
0xae: {  	v28 =	vadd.f32 v21, v21  }
0xaf: {  	v30 =	vadd.s32 v2, v22;
	v29 =	vand.u32 $0x3, v20  }
0xb0: {  	v31 =	vor.u32 $0x4, v29;
	v21 =	vadd.f32 v21, v23;
	v23 =	vmul.f32 v28, v23;
	_ =	sdelay $0x1  }
0xb1: {  	v21 =	vsub.f32 v21, v23;
	_ =	sdelay $0x1  }
0xb2: {  	v23 =	vshrl.u32 v20, $0x2;
	[tilespmem:v30+s0+$0x0] =	vst.idx.msk $0xffff, v21  }
0xb3: {  	v21 =	vand.u32 $0x1, v23;
	v23 =	vld.idx.msk [tilespmem:v31+s9+$0x0], $0xffff  }
0xb4: {  	v21 =	vcvt.s32.f32 v21;
	_ =	sdelay $0x1  }
0xb5: {  	v32 =	vadd.f32 v21, v21  }
0xb6: {  	v34 =	vadd.s32 v3, v22;
	v33 =	vand.u32 $0x7, v20  }
0xb7: {  	v35 =	vor.u32 $0x8, v33;
	v21 =	vadd.f32 v21, v23;
	v23 =	vmul.f32 v23, v32;
	_ =	sdelay $0x1  }
0xb8: {  	v21 =	vsub.f32 v21, v23;
	_ =	sdelay $0x1  }
0xb9: {  	v23 =	vshrl.u32 v20, $0x3;
	[tilespmem:v34+s0+$0x0] =	vst.idx.msk $0xffff, v21  }
0xba: {  	v21 =	vand.u32 $0x1, v23;
	v23 =	vld.idx.msk [tilespmem:v35+s9+$0x0], $0xffff  }
0xbb: {  	v21 =	vcvt.s32.f32 v21;
	_ =	sdelay $0x1  }
0xbc: {  	v36 =	vadd.f32 v21, v21  }
0xbd: {  	v38 =	vadd.s32 v4, v22;
	v37 =	vand.u32 $0xF, v20  }
0xbe: {  	v39 =	vor.u32 $0x10, v37;
	v21 =	vadd.f32 v21, v23;
	v23 =	vmul.f32 v23, v36;
	_ =	sdelay $0x1  }
0xbf: {  	v21 =	vsub.f32 v21, v23;
	_ =	sdelay $0x1  }
0xc0: {  	v23 =	vshrl.u32 v20, $0x4;
	[tilespmem:v38+s0+$0x0] =	vst.idx.msk $0xffff, v21  }
0xc1: {  	v21 =	vand.u32 $0x1, v23;
	v23 =	vld.idx.msk [tilespmem:v39+s9+$0x0], $0xffff  }
0xc2: {  	v21 =	vcvt.s32.f32 v21;
	_ =	sdelay $0x1  }
0xc3: {  	v40 =	vadd.f32 v21, v21  }
0xc4: {  	v42 =	vadd.s32 v5, v22;
	v41 =	vand.u32 $0x1F, v20  }
0xc5: {  	v43 =	vor.u32 $0x20, v41;
	v21 =	vadd.f32 v21, v23;
	v23 =	vmul.f32 v23, v40;
	_ =	sdelay $0x1  }
0xc6: {  	v21 =	vsub.f32 v21, v23;
	_ =	sdelay $0x1  }
0xc7: {  	v23 =	vshrl.u32 v20, $0x5;
	[tilespmem:v42+s0+$0x0] =	vst.idx.msk $0xffff, v21  }
0xc8: {  	v21 =	vand.u32 $0x1, v23;
	v23 =	vld.idx.msk [tilespmem:v43+s9+$0x0], $0xffff  }
0xc9: {  	v21 =	vcvt.s32.f32 v21;
	_ =	sdelay $0x1  }
0xca: {  	v44 =	vadd.f32 v21, v21  }
0xcb: {  	v46 =	vadd.s32 v6, v22;
	v45 =	vand.u32 $0x3F, v20  }
0xcc: {  	v47 =	vor.u32 $0x40, v45;
	v21 =	vadd.f32 v21, v23;
	v23 =	vmul.f32 v23, v44;
	_ =	sdelay $0x1  }
0xcd: {  	v21 =	vsub.f32 v21, v23;
	_ =	sdelay $0x1  }
0xce: {  	v23 =	vshrl.u32 v20, $0x6;
	[tilespmem:v46+s0+$0x0] =	vst.idx.msk $0xffff, v21  }
0xcf: {  	v21 =	vand.u32 $0x1, v23;
	v23 =	vld.idx.msk [tilespmem:v47+s9+$0x0], $0xffff  }
0xd0: {  	v21 =	vcvt.s32.f32 v21;
	_ =	sdelay $0x1  }
0xd1: {  	v48 =	vadd.f32 v21, v21  }
0xd2: {  	v50 =	vadd.s32 v7, v22;
	v49 =	vand.u32 $0x7F, v20  }
0xd3: {  	v51 =	vor.u32 $0x80, v49;
	v21 =	vadd.f32 v21, v23;
	v23 =	vmul.f32 v23, v48;
	_ =	sdelay $0x1  }
0xd4: {  	v21 =	vsub.f32 v21, v23;
	_ =	sdelay $0x1  }
0xd5: {  	v23 =	vshrl.u32 v20, $0x7;
	[tilespmem:v50+s0+$0x0] =	vst.idx.msk $0xffff, v21  }
0xd6: {  	v21 =	vand.u32 $0x1, v23;
	v23 =	vld.idx.msk [tilespmem:v51+s9+$0x0], $0xffff  }
0xd7: {  	v21 =	vcvt.s32.f32 v21;
	_ =	sdelay $0x1  }
0xd8: {  	v52 =	vadd.f32 v21, v21  }
0xd9: {  	v54 =	vadd.s32 v8, v22;
	v53 =	vand.u32 $0xFF, v20  }
0xda: {  	v55 =	vor.u32 $0x100, v53;
	v21 =	vadd.f32 v21, v23;
	v23 =	vmul.f32 v23, v52;
	_ =	sdelay $0x1  }
0xdb: {  	v21 =	vsub.f32 v21, v23;
	_ =	sdelay $0x1  }
0xdc: {  	v23 =	vshrl.u32 v20, $0x8;
	[tilespmem:v54+s0+$0x0] =	vst.idx.msk $0xffff, v21  }
0xdd: {  	v21 =	vand.u32 $0x1, v23;
	v23 =	vld.idx.msk [tilespmem:v55+s9+$0x0], $0xffff  }
0xde: {  	v21 =	vcvt.s32.f32 v21;
	_ =	sdelay $0x1  }
0xdf: {  	v56 =	vadd.f32 v21, v21  }
0xe0: {  	v58 =	vadd.s32 v9, v22;
	v57 =	vand.u32 $0x1FF, v20  }
0xe1: {  	v59 =	vor.u32 $0x200, v57;
	v21 =	vadd.f32 v21, v23;
	v23 =	vmul.f32 v23, v56;
	_ =	sdelay $0x1  }
0xe2: {  	v21 =	vsub.f32 v21, v23;
	_ =	sdelay $0x1  }
0xe3: {  	v23 =	vshrl.u32 v20, $0x9;
	[tilespmem:v58+s0+$0x0] =	vst.idx.msk $0xffff, v21  }
0xe4: {  	v21 =	vand.u32 $0x1, v23;
	v23 =	vld.idx.msk [tilespmem:v59+s9+$0x0], $0xffff  }
0xe5: {  	v21 =	vcvt.s32.f32 v21;
	_ =	sdelay $0x1  }
0xe6: {  	v60 =	vadd.f32 v21, v21  }
0xe7: {  	v61 =	vand.u32 $0x3FF, v20;
	v62 =	vadd.s32 v10, v22  }
0xe8: {  	v63 =	vor.u32 $0x400, v61;
	v21 =	vadd.f32 v21, v23;
	v23 =	vmul.f32 v23, v60;
	_ =	sdelay $0x1  }
0xe9: {  	v21 =	vsub.f32 v21, v23;
	_ =	sdelay $0x1  }
0xea: {  	[tilespmem:v62+s0+$0x0] =	vst.idx.msk $0xffff, v21  }
0xeb: {  	v20 =	vshrl.u32 v20, $0xA;
	v21 =	vld.idx.msk [tilespmem:v63+s9+$0x0], $0xffff  }
0xec: {  	v20 =	vand.u32 $0x1, v20  }
0xed: {  	v20 =	vcvt.s32.f32 v20;
	_ =	sdelay $0x1  }
0xee: {  	v23 =	vadd.f32 v20, v20  }
0xef: {  	v24 =	vadd.f32 v20, v21;
	v20 =	vadd.s32 v11, v22  }
0xf0: {  	v21 =	vmul.f32 v21, v23;
	_ =	sdelay $0x1  }
0xf1: {  	s16 =	simm.s32 $0x10;
	v21 =	vsub.f32 v24, v21  }
.LBB2_4:
0xf2: {  	p1 =	sne.s32 s16, $0x70  }
0xf3: {  	s15 =	sadd.s32 $0x10, s15;
	s17 =	smov.u32 s16;
	s16 =	sadd.s32 $0x10, s16;
	[tilespmem:v20+s0+$0x0] =	vst.idx.msk $0xffff, v21  }
0xf4: {  	v21 =	vld [tilespmem:s15+$0x0];
	_ =	sdelay $0x4  }
0xf5: {  	v20 =	vshra.s32 v21, $0x14;
	v22 =	vand.u32 $0x1, v21;
	v23 =	vshrl.u32 v21, $0x1  }
0xf6: {  	v31 =	vand.u32 $0x3, v21;
	v30 =	vand.u32 $0x1, v23;
	v23 =	vshrl.u32 v21, $0x2  }
0xf7: {  	v33 =	vand.u32 $0x7, v21;
	v32 =	vand.u32 $0x1, v23;
	v23 =	vshrl.u32 v21, $0x3  }
0xf8: {  	v35 =	vand.u32 $0xF, v21;
	v34 =	vand.u32 $0x1, v23;
	v23 =	vshrl.u32 v21, $0x4  }
0xf9: {  	v37 =	vand.u32 $0x1F, v21;
	v36 =	vand.u32 $0x1, v23;
	v23 =	vshrl.u32 v21, $0x5  }
0xfa: {  	v24 =	vmov s17;
	v40 =	vand.u32 $0x3F, v21;
	v38 =	vld.idx.msk [tilespmem:v20+s9+$0x0], $0xffff;
	v39 =	vand.u32 $0x1, v23  }
0xfb: {  	v28 =	vand.u32 $0x7F, v21;
	v20 =	vmul.u32 $0x14, v24;
	v23 =	vshrl.u32 v21, $0x6  }
0xfc: {  	v41 =	vcvt.s32.f32 v22;
	v29 =	vand.u32 $0x1, v23;
	v23 =	vshrl.u32 v21, $0x7  }
0xfd: {  	v26 =	vand.u32 $0xFF, v21;
	v20 =	vbroadcast v20, $0x0;
	v27 =	vand.u32 $0x1, v23  }
0xfe: {  	v25 =	vshrl.u32 v21, $0x8;
	v24 =	vand.u32 $0x1FF, v21;
	v23 =	vadd.f32 v41, v41  }
0xff: {  	v43 =	vshrl.u32 v21, $0x9;
	v25 =	vand.u32 $0x1, v25;
	v42 =	vadd.s32 v1, v20  }
0x100: {  	v44 =	vor.u32 $0x2, v22;
	v41 =	vadd.f32 v41, v38;
	v38 =	vmul.f32 v23, v38  }
0x101: {  	v22 =	vand.u32 $0x3FF, v21;
	v21 =	vshrl.u32 v21, $0xA;
	v23 =	vand.u32 $0x1, v43  }
0x102: {  	v21 =	vand.u32 $0x1, v21;
	v38 =	vsub.f32 v41, v38;
	_ =	sdelay $0x1  }
0x103: {  	[tilespmem:v42+s0+$0x0] =	vst.idx.msk $0xffff, v38  }
0x104: {  	v38 =	vld.idx.msk [tilespmem:v44+s9+$0x0], $0xffff;
	_ =	sdelay $0x1  }
0x105: {  	v30 =	vcvt.s32.f32 v30;
	_ =	sdelay $0x1  }
0x106: {  	v41 =	vadd.f32 v30, v30  }
0x107: {  	v42 =	vadd.s32 v2, v20  }
0x108: {  	v31 =	vor.u32 $0x4, v31;
	v30 =	vadd.f32 v30, v38;
	v38 =	vmul.f32 v41, v38;
	_ =	sdelay $0x1  }
0x109: {  	v30 =	vsub.f32 v30, v38;
	_ =	sdelay $0x1  }
0x10a: {  	[tilespmem:v42+s0+$0x0] =	vst.idx.msk $0xffff, v30  }
0x10b: {  	v30 =	vld.idx.msk [tilespmem:v31+s9+$0x0], $0xffff;
	_ =	sdelay $0x1  }
0x10c: {  	v31 =	vcvt.s32.f32 v32;
	_ =	sdelay $0x1  }
0x10d: {  	v32 =	vadd.f32 v31, v31  }
0x10e: {  	v38 =	vadd.s32 v3, v20  }
0x10f: {  	v31 =	vadd.f32 v31, v30;
	v30 =	vmul.f32 v30, v32;
	v32 =	vor.u32 $0x8, v33;
	_ =	sdelay $0x1  }
0x110: {  	v30 =	vsub.f32 v31, v30;
	_ =	sdelay $0x1  }
0x111: {  	[tilespmem:v38+s0+$0x0] =	vst.idx.msk $0xffff, v30  }
0x112: {  	v30 =	vld.idx.msk [tilespmem:v32+s9+$0x0], $0xffff;
	_ =	sdelay $0x1  }
0x113: {  	v31 =	vcvt.s32.f32 v34;
	_ =	sdelay $0x1  }
0x114: {  	v32 =	vadd.f32 v31, v31  }
0x115: {  	v33 =	vadd.s32 v4, v20  }
0x116: {  	v31 =	vadd.f32 v31, v30;
	v30 =	vmul.f32 v30, v32;
	v32 =	vor.u32 $0x10, v35;
	_ =	sdelay $0x1  }
0x117: {  	v30 =	vsub.f32 v31, v30;
	_ =	sdelay $0x1  }
0x118: {  	[tilespmem:v33+s0+$0x0] =	vst.idx.msk $0xffff, v30  }
0x119: {  	v30 =	vld.idx.msk [tilespmem:v32+s9+$0x0], $0xffff;
	_ =	sdelay $0x1  }
0x11a: {  	v31 =	vcvt.s32.f32 v36;
	_ =	sdelay $0x1  }
0x11b: {  	v32 =	vadd.f32 v31, v31  }
0x11c: {  	v33 =	vadd.s32 v5, v20  }
0x11d: {  	v31 =	vadd.f32 v31, v30;
	v30 =	vmul.f32 v30, v32;
	v32 =	vor.u32 $0x20, v37;
	_ =	sdelay $0x1  }
0x11e: {  	v30 =	vsub.f32 v31, v30;
	_ =	sdelay $0x1  }
0x11f: {  	[tilespmem:v33+s0+$0x0] =	vst.idx.msk $0xffff, v30  }
0x120: {  	v30 =	vld.idx.msk [tilespmem:v32+s9+$0x0], $0xffff;
	_ =	sdelay $0x1  }
0x121: {  	v31 =	vcvt.s32.f32 v39;
	_ =	sdelay $0x1  }
0x122: {  	v32 =	vadd.f32 v31, v31  }
0x123: {  	v33 =	vadd.s32 v6, v20  }
0x124: {  	v31 =	vadd.f32 v31, v30;
	v30 =	vmul.f32 v30, v32;
	v32 =	vor.u32 $0x40, v40;
	_ =	sdelay $0x1  }
0x125: {  	v30 =	vsub.f32 v31, v30;
	_ =	sdelay $0x1  }
0x126: {  	[tilespmem:v33+s0+$0x0] =	vst.idx.msk $0xffff, v30  }
0x127: {  	v30 =	vld.idx.msk [tilespmem:v32+s9+$0x0], $0xffff;
	_ =	sdelay $0x1  }
0x128: {  	v29 =	vcvt.s32.f32 v29;
	_ =	sdelay $0x1  }
0x129: {  	v31 =	vadd.f32 v29, v29  }
0x12a: {  	v32 =	vadd.s32 v7, v20  }
0x12b: {  	v28 =	vor.u32 $0x80, v28;
	v29 =	vadd.f32 v29, v30;
	v30 =	vmul.f32 v30, v31;
	_ =	sdelay $0x1  }
0x12c: {  	v29 =	vsub.f32 v29, v30;
	_ =	sdelay $0x1  }
0x12d: {  	[tilespmem:v32+s0+$0x0] =	vst.idx.msk $0xffff, v29  }
0x12e: {  	v28 =	vld.idx.msk [tilespmem:v28+s9+$0x0], $0xffff;
	_ =	sdelay $0x1  }
0x12f: {  	v27 =	vcvt.s32.f32 v27;
	_ =	sdelay $0x1  }
0x130: {  	v29 =	vadd.f32 v27, v27  }
0x131: {  	v30 =	vadd.s32 v8, v20  }
0x132: {  	v26 =	vor.u32 $0x100, v26;
	v27 =	vadd.f32 v27, v28;
	v28 =	vmul.f32 v28, v29;
	_ =	sdelay $0x1  }
0x133: {  	v27 =	vsub.f32 v27, v28;
	_ =	sdelay $0x1  }
0x134: {  	[tilespmem:v30+s0+$0x0] =	vst.idx.msk $0xffff, v27  }
0x135: {  	v26 =	vld.idx.msk [tilespmem:v26+s9+$0x0], $0xffff;
	_ =	sdelay $0x1  }
0x136: {  	v25 =	vcvt.s32.f32 v25;
	_ =	sdelay $0x1  }
0x137: {  	v27 =	vadd.f32 v25, v25  }
0x138: {  	v28 =	vadd.s32 v9, v20  }
0x139: {  	v24 =	vor.u32 $0x200, v24;
	v25 =	vadd.f32 v25, v26;
	v26 =	vmul.f32 v26, v27;
	_ =	sdelay $0x1  }
0x13a: {  	v25 =	vsub.f32 v25, v26;
	_ =	sdelay $0x1  }
0x13b: {  	[tilespmem:v28+s0+$0x0] =	vst.idx.msk $0xffff, v25  }
0x13c: {  	v24 =	vld.idx.msk [tilespmem:v24+s9+$0x0], $0xffff;
	_ =	sdelay $0x1  }
0x13d: {  	v23 =	vcvt.s32.f32 v23;
	_ =	sdelay $0x1  }
0x13e: {  	v25 =	vadd.f32 v23, v23  }
0x13f: {  	v26 =	vadd.s32 v10, v20  }
0x140: {  	v22 =	vor.u32 $0x400, v22;
	v23 =	vadd.f32 v23, v24;
	v24 =	vmul.f32 v24, v25;
	_ =	sdelay $0x1  }
0x141: {  	v23 =	vsub.f32 v23, v24;
	_ =	sdelay $0x1  }
0x142: {  	[tilespmem:v26+s0+$0x0] =	vst.idx.msk $0xffff, v23  }
0x143: {  	v22 =	vld.idx.msk [tilespmem:v22+s9+$0x0], $0xffff;
	_ =	sdelay $0x1  }
0x144: {  	v21 =	vcvt.s32.f32 v21;
	_ =	sdelay $0x1  }
.Ltmp1:
0x145: {  	v23 =	vadd.f32 v21, v21;
	(pc) =	sbr.rel @p1 .LBB2_4-.Ltmp1, $3  }
0x146: {  	v20 =	vadd.s32 v11, v20  }
0x147: {  	v21 =	vadd.f32 v21, v22;
	v22 =	vmul.f32 v22, v23;
	_ =	sdelay $0x1  }
0x148: {  	v21 =	vsub.f32 v21, v22  }
0x149: {  	_ =	sdelay $0x3  }
0x14a: {  	[tilespmem:v20+s0+$0x0] =	vst.idx.msk $0xffff, v21  }
0x14b: {  	_ =	swait.ge [sflag:s1], $0x80  }
0x14c: {  	[sflag:s1] =	ssyncset.done $0x0  }
0x14d: {  	[sflag:s1] =	ssyncadd.s32 $0xFFFFFF80  }
0x14e: {  	_ =	swait.ge [sflag:s1], $0x80  }
0x14f: {  	[sflag:s1] =	ssyncset.done $0x0  }
0x150: {  	[sflag:s1] =	ssyncadd.s32 $0xFFFFFF80  }
0x151: {  	_ =	swait.ge [sflag:s1], $0x80  }
0x152: {  	[sflag:s1] =	ssyncset.done $0x0  }
0x153: {  	[sflag:s1] =	ssyncadd.s32 $0xFFFFFF80  }
0x154: {  	_ =	swait.ge [sflag:s1], $0x80  }
0x155: {  	[sflag:s1] =	ssyncset.done $0x0  }
0x156: {  	[sflag:s1] =	ssyncadd.s32 $0xFFFFFF80  }
0x157: {  	_ =	swait.ge [sflag:s1], $0x80  }
0x158: {  	[sflag:s1] =	ssyncset.done $0x0  }
0x159: {  	[sflag:s1] =	ssyncadd.s32 $0xFFFFFF80  }
0x15a: {  	_ =	swait.ge [sflag:s1], $0x80  }
0x15b: {  	[sflag:s1] =	ssyncset.done $0x0  }
0x15c: {  	[sflag:s1] =	ssyncadd.s32 $0xFFFFFF80  }
0x15d: {  	_ =	swait.ge [sflag:s1], $0x80  }
0x15e: {  	[sflag:s1] =	ssyncset.done $0x0  }
0x15f: {  	[sflag:s1] =	ssyncadd.s32 $0xFFFFFF80  }
0x160: {  	_ =	swait.ge [sflag:s1], $0x80  }
0x161: {  	[sflag:s1] =	ssyncset.done $0x0  }
0x162: {  	[sflag:s1] =	ssyncadd.s32 $0xFFFFFF80  }
0x163: {  	_ =	swait.ge [sflag:s1], $0x80  }
0x164: {  	[sflag:s1] =	ssyncset.done $0x0  }
0x165: {  	s15 =	simm.s32 $0xA00;
	[sflag:s1] =	ssyncadd.s32 $0xFFFFFF80  }
0x166: {  	v20 =	vld [tilespmem:s15+$0x0];
	_ =	sdelay $0x3  }
0x167: {  	s17 =	simm.s32 $0x0  }
0x168: {  	s16 =	simm.s32 $0x1080;
	v21 =	vmov s17;
	v22 =	vshrl.u32 v20, $0xB  }
0x169: {  	v21 =	vmul.u32 $0x14, v21;
	v23 =	vld [tilespmem:s16+$0xFFFFFE00];
	v22 =	vand.u32 $0x1, v22  }
0x16a: {  	v22 =	vcvt.s32.f32 v22  }
0x16b: {  	v21 =	vbroadcast v21, $0x0  }
0x16c: {  	v24 =	vadd.f32 v22, v22  }
0x16d: {  	v25 =	vadd.s32 v12, v21  }
0x16e: {  	v22 =	vadd.f32 v22, v23;
	v23 =	vmul.f32 v24, v23;
	_ =	sdelay $0x1  }
0x16f: {  	v22 =	vsub.f32 v22, v23;
	_ =	sdelay $0x1  }
0x170: {  	v23 =	vshrl.u32 v20, $0xC;
	[tilespmem:v25+s0+$0x0] =	vst.idx.msk $0xffff, v22  }
0x171: {  	v22 =	vand.u32 $0x1, v23;
	v23 =	vld [tilespmem:s16+$0xFFFFFE80]  }
0x172: {  	v22 =	vcvt.s32.f32 v22;
	_ =	sdelay $0x1  }
0x173: {  	v49 =	vadd.f32 v22, v22  }
0x174: {  	v50 =	vadd.s32 v13, v21  }
0x175: {  	v22 =	vadd.f32 v22, v23;
	v23 =	vmul.f32 v49, v23;
	_ =	sdelay $0x1  }
0x176: {  	v22 =	vsub.f32 v22, v23;
	_ =	sdelay $0x1  }
0x177: {  	v23 =	vshrl.u32 v20, $0xD;
	[tilespmem:v50+s0+$0x0] =	vst.idx.msk $0xffff, v22  }
0x178: {  	v22 =	vand.u32 $0x1, v23;
	v23 =	vld [tilespmem:s16+$0xFFFFFF00]  }
0x179: {  	v22 =	vcvt.s32.f32 v22;
	_ =	sdelay $0x1  }
0x17a: {  	v51 =	vadd.f32 v22, v22  }
0x17b: {  	v52 =	vadd.s32 v14, v21  }
0x17c: {  	v22 =	vadd.f32 v22, v23;
	v23 =	vmul.f32 v23, v51;
	_ =	sdelay $0x1  }
0x17d: {  	v22 =	vsub.f32 v22, v23;
	_ =	sdelay $0x1  }
0x17e: {  	v23 =	vshrl.u32 v20, $0xE;
	[tilespmem:v52+s0+$0x0] =	vst.idx.msk $0xffff, v22  }
0x17f: {  	v22 =	vand.u32 $0x1, v23;
	v23 =	vld [tilespmem:s16+$0xFFFFFF80]  }
0x180: {  	v22 =	vcvt.s32.f32 v22;
	_ =	sdelay $0x1  }
0x181: {  	v53 =	vadd.f32 v22, v22  }
0x182: {  	v54 =	vadd.s32 v15, v21  }
0x183: {  	v22 =	vadd.f32 v22, v23;
	v23 =	vmul.f32 v23, v53;
	_ =	sdelay $0x1  }
0x184: {  	v22 =	vsub.f32 v22, v23;
	_ =	sdelay $0x1  }
0x185: {  	v23 =	vshrl.u32 v20, $0xF;
	[tilespmem:v54+s0+$0x0] =	vst.idx.msk $0xffff, v22  }
0x186: {  	v22 =	vand.u32 $0x1, v23;
	v23 =	vld [tilespmem:s16+$0x0]  }
0x187: {  	v22 =	vcvt.s32.f32 v22;
	_ =	sdelay $0x1  }
0x188: {  	v55 =	vadd.f32 v22, v22  }
0x189: {  	v56 =	vadd.s32 v16, v21  }
0x18a: {  	v22 =	vadd.f32 v22, v23;
	v23 =	vmul.f32 v23, v55;
	_ =	sdelay $0x1  }
0x18b: {  	v22 =	vsub.f32 v22, v23;
	_ =	sdelay $0x1  }
0x18c: {  	v23 =	vshrl.u32 v20, $0x10;
	[tilespmem:v56+s0+$0x0] =	vst.idx.msk $0xffff, v22  }
0x18d: {  	v22 =	vand.u32 $0x1, v23;
	v23 =	vld [tilespmem:s16+$0x80]  }
0x18e: {  	v22 =	vcvt.s32.f32 v22;
	_ =	sdelay $0x1  }
0x18f: {  	v57 =	vadd.f32 v22, v22  }
0x190: {  	v58 =	vadd.s32 v17, v21  }
0x191: {  	v22 =	vadd.f32 v22, v23;
	v23 =	vmul.f32 v23, v57;
	_ =	sdelay $0x1  }
0x192: {  	v22 =	vsub.f32 v22, v23;
	_ =	sdelay $0x1  }
0x193: {  	v23 =	vshrl.u32 v20, $0x11;
	[tilespmem:v58+s0+$0x0] =	vst.idx.msk $0xffff, v22  }
0x194: {  	v22 =	vand.u32 $0x1, v23;
	v23 =	vld [tilespmem:s16+$0x100]  }
0x195: {  	v22 =	vcvt.s32.f32 v22;
	_ =	sdelay $0x1  }
0x196: {  	v59 =	vadd.f32 v22, v22  }
0x197: {  	v60 =	vadd.s32 v18, v21  }
0x198: {  	v22 =	vadd.f32 v22, v23;
	v23 =	vmul.f32 v23, v59;
	_ =	sdelay $0x1  }
0x199: {  	v22 =	vsub.f32 v22, v23;
	_ =	sdelay $0x1  }
0x19a: {  	v23 =	vshrl.u32 v20, $0x12;
	[tilespmem:v60+s0+$0x0] =	vst.idx.msk $0xffff, v22  }
0x19b: {  	v22 =	vand.u32 $0x1, v23;
	v23 =	vld [tilespmem:s16+$0x180]  }
0x19c: {  	v22 =	vcvt.s32.f32 v22;
	_ =	sdelay $0x1  }
0x19d: {  	v61 =	vadd.f32 v22, v22  }
0x19e: {  	v62 =	vadd.s32 v19, v21  }
0x19f: {  	v22 =	vadd.f32 v22, v23;
	v23 =	vmul.f32 v23, v61;
	_ =	sdelay $0x1  }
0x1a0: {  	v22 =	vsub.f32 v22, v23;
	_ =	sdelay $0x1  }
0x1a1: {  	[tilespmem:v62+s0+$0x0] =	vst.idx.msk $0xffff, v22  }
0x1a2: {  	v20 =	vshrl.u32 v20, $0x13;
	v22 =	vld [tilespmem:s16+$0x200]  }
0x1a3: {  	v20 =	vand.u32 $0x1, v20  }
0x1a4: {  	v20 =	vcvt.s32.f32 v20;
	_ =	sdelay $0x1  }
0x1a5: {  	v23 =	vadd.f32 v20, v20  }
0x1a6: {  	v63 =	vadd.f32 v20, v22;
	v20 =	vadd.s32 v0, v21  }
0x1a7: {  	v22 =	vmul.f32 v22, v23;
	_ =	sdelay $0x1  }
0x1a8: {  	s17 =	simm.s32 $0x10;
	v21 =	vsub.f32 v63, v22  }
.LBB2_6:
0x1a9: {  	_ = 	snop  }
0x1aa: {  	p1 =	sne.s32 s17, $0x70;
	s15 =	sadd.s32 $0x10, s15;
	s16 =	sadd.s32 $0x10, s16;
	[tilespmem:v20+s0+$0x0] =	vst.idx.msk $0xffff, v21  }
0x1ab: {  	s18 =	smov.u32 s17;
	s17 =	sadd.s32 $0x10, s17;
	v21 =	vld [tilespmem:s15+$0x0];
	_ =	sdelay $0x4  }
0x1ac: {  	v20 =	vmov s18;
	v22 =	vshrl.u32 v21, $0xB;
	v23 =	vshrl.u32 v21, $0xC  }
0x1ad: {  	v20 =	vmul.u32 $0x14, v20;
	v24 =	vld [tilespmem:s16+$0xFFFFFE00];
	v22 =	vand.u32 $0x1, v22;
	v23 =	vand.u32 $0x1, v23  }
0x1ae: {  	v25 =	vshrl.u32 v21, $0xD;
	v26 =	vshrl.u32 v21, $0xE;
	v22 =	vcvt.s32.f32 v22  }
0x1af: {  	v20 =	vbroadcast v20, $0x0;
	v25 =	vand.u32 $0x1, v25;
	v26 =	vand.u32 $0x1, v26  }
0x1b0: {  	v28 =	vshrl.u32 v21, $0xF;
	v29 =	vshrl.u32 v21, $0x10;
	v27 =	vadd.f32 v22, v22  }
0x1b1: {  	v30 =	vadd.s32 v12, v20;
	v28 =	vand.u32 $0x1, v28;
	v29 =	vand.u32 $0x1, v29  }
0x1b2: {  	v22 =	vadd.f32 v22, v24;
	v24 =	vmul.f32 v27, v24;
	v27 =	vshrl.u32 v21, $0x11  }
0x1b3: {  	v31 =	vshrl.u32 v21, $0x12;
	v21 =	vshrl.u32 v21, $0x13;
	v27 =	vand.u32 $0x1, v27  }
0x1b4: {  	v21 =	vand.u32 $0x1, v21;
	v22 =	vsub.f32 v22, v24;
	v24 =	vand.u32 $0x1, v31;
	_ =	sdelay $0x1  }
0x1b5: {  	[tilespmem:v30+s0+$0x0] =	vst.idx.msk $0xffff, v22  }
0x1b6: {  	v22 =	vld [tilespmem:s16+$0xFFFFFE80]  }
0x1b7: {  	v23 =	vcvt.s32.f32 v23;
	_ =	sdelay $0x1  }
0x1b8: {  	v30 =	vadd.f32 v23, v23  }
0x1b9: {  	v31 =	vadd.s32 v13, v20  }
0x1ba: {  	v23 =	vadd.f32 v23, v22;
	v22 =	vmul.f32 v30, v22;
	_ =	sdelay $0x1  }
0x1bb: {  	v22 =	vsub.f32 v23, v22;
	_ =	sdelay $0x1  }
0x1bc: {  	[tilespmem:v31+s0+$0x0] =	vst.idx.msk $0xffff, v22  }
0x1bd: {  	v22 =	vld [tilespmem:s16+$0xFFFFFF00]  }
0x1be: {  	v23 =	vcvt.s32.f32 v25;
	_ =	sdelay $0x1  }
0x1bf: {  	v25 =	vadd.f32 v23, v23  }
0x1c0: {  	v30 =	vadd.s32 v14, v20  }
0x1c1: {  	v23 =	vadd.f32 v23, v22;
	v22 =	vmul.f32 v22, v25;
	_ =	sdelay $0x1  }
0x1c2: {  	v22 =	vsub.f32 v23, v22;
	_ =	sdelay $0x1  }
0x1c3: {  	[tilespmem:v30+s0+$0x0] =	vst.idx.msk $0xffff, v22  }
0x1c4: {  	v22 =	vld [tilespmem:s16+$0xFFFFFF80]  }
0x1c5: {  	v23 =	vcvt.s32.f32 v26;
	_ =	sdelay $0x1  }
0x1c6: {  	v25 =	vadd.f32 v23, v23  }
0x1c7: {  	v26 =	vadd.s32 v15, v20  }
0x1c8: {  	v23 =	vadd.f32 v23, v22;
	v22 =	vmul.f32 v22, v25;
	_ =	sdelay $0x1  }
0x1c9: {  	v22 =	vsub.f32 v23, v22;
	_ =	sdelay $0x1  }
0x1ca: {  	[tilespmem:v26+s0+$0x0] =	vst.idx.msk $0xffff, v22  }
0x1cb: {  	v22 =	vld [tilespmem:s16+$0x0]  }
0x1cc: {  	v23 =	vcvt.s32.f32 v28;
	_ =	sdelay $0x1  }
0x1cd: {  	v25 =	vadd.f32 v23, v23  }
0x1ce: {  	v26 =	vadd.s32 v16, v20  }
0x1cf: {  	v23 =	vadd.f32 v23, v22;
	v22 =	vmul.f32 v22, v25;
	_ =	sdelay $0x1  }
0x1d0: {  	v22 =	vsub.f32 v23, v22;
	_ =	sdelay $0x1  }
0x1d1: {  	[tilespmem:v26+s0+$0x0] =	vst.idx.msk $0xffff, v22  }
0x1d2: {  	v22 =	vld [tilespmem:s16+$0x80]  }
0x1d3: {  	v23 =	vcvt.s32.f32 v29;
	_ =	sdelay $0x1  }
0x1d4: {  	v25 =	vadd.f32 v23, v23  }
0x1d5: {  	v26 =	vadd.s32 v17, v20  }
0x1d6: {  	v23 =	vadd.f32 v23, v22;
	v22 =	vmul.f32 v22, v25;
	_ =	sdelay $0x1  }
0x1d7: {  	v22 =	vsub.f32 v23, v22;
	_ =	sdelay $0x1  }
0x1d8: {  	[tilespmem:v26+s0+$0x0] =	vst.idx.msk $0xffff, v22  }
0x1d9: {  	v22 =	vld [tilespmem:s16+$0x100]  }
0x1da: {  	v23 =	vcvt.s32.f32 v27;
	_ =	sdelay $0x1  }
0x1db: {  	v25 =	vadd.f32 v23, v23  }
0x1dc: {  	v26 =	vadd.s32 v18, v20  }
0x1dd: {  	v23 =	vadd.f32 v23, v22;
	v22 =	vmul.f32 v22, v25;
	_ =	sdelay $0x1  }
0x1de: {  	v22 =	vsub.f32 v23, v22;
	_ =	sdelay $0x1  }
0x1df: {  	[tilespmem:v26+s0+$0x0] =	vst.idx.msk $0xffff, v22  }
0x1e0: {  	v22 =	vld [tilespmem:s16+$0x180]  }
0x1e1: {  	v23 =	vcvt.s32.f32 v24;
	_ =	sdelay $0x1  }
0x1e2: {  	v24 =	vadd.f32 v23, v23  }
0x1e3: {  	v25 =	vadd.s32 v19, v20  }
0x1e4: {  	v23 =	vadd.f32 v23, v22;
	v22 =	vmul.f32 v22, v24;
	_ =	sdelay $0x1  }
0x1e5: {  	v22 =	vsub.f32 v23, v22;
	_ =	sdelay $0x1  }
0x1e6: {  	[tilespmem:v25+s0+$0x0] =	vst.idx.msk $0xffff, v22  }
0x1e7: {  	v22 =	vld [tilespmem:s16+$0x200]  }
0x1e8: {  	v21 =	vcvt.s32.f32 v21;
	_ =	sdelay $0x1  }
.Ltmp2:
0x1e9: {  	v23 =	vadd.f32 v21, v21;
	(pc) =	sbr.rel @p1 .LBB2_6-.Ltmp2, $3  }
0x1ea: {  	v20 =	vadd.s32 v0, v20  }
0x1eb: {  	v21 =	vadd.f32 v21, v22;
	v22 =	vmul.f32 v22, v23;
	_ =	sdelay $0x1  }
0x1ec: {  	v21 =	vsub.f32 v21, v22  }
0x1ed: {  	_ =	sdelay $0x1  }
0x1ee: {  	s14 =	sadd.s32 $0x1, s14  }
0x1ef: {  	p1 =	sne.s32 s14, s8  }
.Ltmp3:
0x1f0: {  	[tilespmem:v20+s0+$0x0] =	vst.idx.msk $0xffff, v21;
	(pc) =	sbr.rel @p1 .LBB2_1-.Ltmp3, $4  }
0x1f1: {  	[hbm4b:s7+s4] =	stream.linear.scatter [tilespmem:s0], [sflag:$0x4], $0xA00, $0x38;
	[tilespmem:$0xA480] =	vst v63  }
0x1f2: {  	_ =	swait.ge [sflag:s12], $0xA00  }
0x1f3: {  	[sflag:s12] =	ssyncset.done $0x0  }
0x1f4: {  	[sflag:s12] =	ssyncadd.s32 $0xFFFFF600  }
0x1f5: {  	_ =	sfence.sel $0x180000  }
0x1f6: {  	[bflag:$0x0] =	sbarrier.arrive $0xFFFF  }
0x1f7: {  	_ =	strace $0x90000047  }
0x1f8: {  	s0 =	stileid.u32;
	[bflag:$0x2] =	sbarrier.arrive $0xFFFF  }
0x1f9: {  	p0 =	sne.s32 s0, $0x0;
	s0 =	rddreg [dreg:$0x4]  }
0x1fa: {  	s0 =	sadd.s32 @!p0 $0x100000, s0  }
0x1fb: {  	[sflag:s0] =	ssyncadd.tile.s32 @!p0 $0x1;
	_ =	shalt  }
.Lfunc_end2:
_tile_overlayer_lowered:
.L_overlay_start_2:
0x1fc: {  	(tag) =	ssettag $0x2  }
0x1fd: {  	s0 =	rddreg [dreg:$0x0];
	s2 =	stileid.u32  }
0x1fe: {  	s1 =	rddreg [dreg:$0x1];
	p0 =	sne.s32 s2, $0x0  }
0x1ff: {  	s3 =	rddreg [dreg:$0x2];
	[bflag:$0x3] =	sbarrier.arrive $0xFFFF;
	s2 =	simm.s32 @!p0 $0x1C04  }
0x200: {  	[timem:s3], [sflag:s2] =	dma.local @!p0 [hbm:s0], s1  }
0x201: {  	s0 =	simm.s32 @!p0 $0x4  }
0x202: {  	_ =	swait.ge @!p0 [sflag:s0], s1  }
0x203: {  	s1 =	ssub.s32 @!p0 $0x0, s1;
	[sflag:s0] =	ssyncset.done @!p0 $0x0  }
0x204: {  	[sflag:s0] =	ssyncadd.s32 @!p0 s1  }
0x205: {  	[bflag:$0x3] =	sbarrier.arrive $0xFFFF  }
0x206: {  	_ =	shalt  }

</sc_bundles>
